<compile_context>
chip_gen: v7x
topology: tpu7x:2x2x1
jax: 0.10.2.dev20260603
libtpu: 0.0.44.dev20260713+nightly
codegen_flags: <defaults>
</compile_context>

<pallas_src>
import functools

import jax
import jax.numpy as jnp
import numpy as np
from jax import lax
from jax.experimental import pallas as pl
from jax.experimental.pallas import tpu as pltpu
from jax.experimental.pallas import tpu_sc as plsc

B = 16384
D = 16
SEM_CODEBOOK = 256
SEM_LEVELS = 4
NUM_CAT = 1 + SEM_LEVELS
_IU = np.triu_indices(NUM_CAT, k=1)
PAIR_N = [int(x) for x in _IU[0]]
PAIR_M = [int(x) for x in _IU[1]]
NPAIR = len(PAIR_N)

BBLK = 2048
F = NUM_CAT * D



@functools.cache
def _make_gather(num_users):
    info = plsc.get_sparse_core_info()
    NC, NS = info.num_cores, info.num_subcores
    NW = NC * NS
    n = B // NW
    mesh = plsc.VectorSubcoreMesh(core_axis_name="c", subcore_axis_name="s")

    @functools.partial(
        pl.kernel,
        out_type=jax.ShapeDtypeStruct((B, F), jnp.float32),
        mesh=mesh,
        scratch_types=[
            pltpu.VMEM((n,), jnp.int32),
            pltpu.VMEM((SEM_LEVELS, n), jnp.int32),
            pltpu.VMEM((SEM_LEVELS * SEM_CODEBOOK * D,), jnp.float32),
            pltpu.VMEM((2, 8, D, 128), jnp.float32),
            pltpu.VMEM((n, F), jnp.float32),
            pltpu.SemaphoreType.DMA,
        ],
        compiler_params=pltpu.CompilerParams(needs_layout_passes=False),
    )
    def gather_kernel(ut_t, user_idx, codes_t, sem_tab, out,
                      idx_v, codes_v, semtab_v, panels, feat_v, sem):
        wid = lax.axis_index("s") * NC + lax.axis_index("c")
        base = wid * n
        pltpu.sync_copy(user_idx.at[pl.ds(base, n)], idx_v)
        pltpu.sync_copy(codes_t.at[:, pl.ds(base, n)], codes_v)
        pltpu.sync_copy(sem_tab, semtab_v)
        iota = lax.iota(jnp.int32, 16)
        ngrp = n // 8

        def scal(v16, j):
            return jnp.max(jnp.where(iota == j, v16, 0))

        def fire_group(g):
            slot = lax.rem(g, 2)
            v = jnp.clip(idx_v[pl.ds((g // 2) * 16, 16)], 0, num_users - 1)
            voff = lax.shift_left(lax.shift_right_logical(v, 7), 7)
            half = lax.rem(g, 2) * 8
            for j in range(8):
                off = pl.multiple_of(scal(voff, half + j), 128)
                pltpu.async_copy(ut_t.at[:, pl.ds(off, 128)],
                                 panels.at[slot, j], sem)

        def drain_extract_group(g):
            slot = lax.rem(g, 2)
            for j in range(8):
                pltpu.make_async_copy(ut_t.at[:, pl.ds(0, 128)],
                                      panels.at[slot, j], sem).wait()
            v = jnp.clip(idx_v[pl.ds((g // 2) * 16, 16)], 0, num_users - 1)
            vrem = v & 127
            half = lax.rem(g, 2) * 8
            for j in range(8):
                i = g * 8 + j
                rem = jnp.full((16,), scal(vrem, half + j), jnp.int32)
                vals = plsc.load_gather(
                    panels, [jnp.full((16,), slot, jnp.int32),
                             jnp.full((16,), j, jnp.int32), iota, rem])
                feat_v[i, 0:D] = vals

        fire_group(0)

        def step(g, _):
            @pl.when(g + 1 < ngrp)
            def _():
                fire_group(g + 1)

            drain_extract_group(g)
            return 0

        lax.fori_loop(0, ngrp, step, 0)

        def sem_chunk(j, _):
            i16 = j * 16 + iota
            for l in range(SEM_LEVELS):
                cv = jnp.clip(codes_v[l, pl.ds(j * 16, 16)],
                              0, SEM_CODEBOOK - 1)
                cbase = cv * D + l * (SEM_CODEBOOK * D)
                for r in range(D):
                    vals = plsc.load_gather(semtab_v, [cbase + r])
                    plsc.store_scatter(
                        feat_v,
                        [i16, jnp.full((16,), D + l * D + r, jnp.int32)],
                        vals)
            return 0

        lax.fori_loop(0, n // 16, sem_chunk, 0)

        pltpu.sync_copy(feat_v, out.at[pl.ds(base, n)])

    return gather_kernel



def _mlp_body(uf, w1e, b1, w2, b2, w3t, b3, out):
    f = uf[...]
    feats = [f[:, D * k:D * (k + 1)] for k in range(NUM_CAT)]
    a = jnp.concatenate([feats[n] for n in PAIR_N], axis=1)
    bm = jnp.concatenate([feats[m] for m in PAIR_M], axis=1)
    p = a * bm
    h = jnp.dot(p, w1e[...], preferred_element_type=jnp.float32) + b1[...]
    h = jnp.maximum(h, 0.0)
    h = jnp.dot(h, w2[...], preferred_element_type=jnp.float32) + b2[...]
    h = jnp.maximum(h, 0.0)
    z = jnp.sum(h * w3t[...], axis=1, keepdims=True) + b3[...]
    out[...] = 1.0 / (1.0 + jnp.exp(-z))


def _run_mlp(uf, W1e, b1, W2, b2, W3t, b3):
    return pl.pallas_call(
        _mlp_body,
        grid=(B // BBLK,),
        in_specs=[
            pl.BlockSpec((BBLK, F), lambda i: (i, 0)),
            pl.BlockSpec((D * NPAIR, 128), lambda i: (0, 0)),
            pl.BlockSpec((1, 128), lambda i: (0, 0)),
            pl.BlockSpec((128, 64), lambda i: (0, 0)),
            pl.BlockSpec((1, 64), lambda i: (0, 0)),
            pl.BlockSpec((1, 64), lambda i: (0, 0)),
            pl.BlockSpec((1, 1), lambda i: (0, 0)),
        ],
        out_specs=pl.BlockSpec((BBLK, 1), lambda i: (i, 0)),
        out_shape=jax.ShapeDtypeStruct((B, 1), jnp.float32),
    )(uf, W1e, b1, W2, b2, W3t, b3)


def kernel(user_table, sem_tables, W1, b1, W2, b2, W3, b3, user, sem_codes):
    sem_flat = sem_tables.reshape(-1)
    ut_t = user_table.T
    user_idx = user.astype(jnp.int32)
    codes_t = sem_codes.astype(jnp.int32).T
    uf = _make_gather(user_table.shape[0])(ut_t, user_idx, codes_t, sem_flat)
    W1e = jnp.repeat(W1, D, axis=0)
    out = _run_mlp(uf, W1e, b1.reshape(1, -1),
                   W2, b2.reshape(1, -1), W3.reshape(1, -1), b3.reshape(1, 1))
    return out.reshape(-1)

# --- scband reference (transcript-rebuilt; emitter-appended) ---
"""Pipeline reference for scband-dlrm-66331474919974 (READ-ONLY COPY).

The authoritative reference and input builder live on the scoring server;
editing this copy changes nothing except your own understanding.
"""

import jax, jax.numpy as jnp
import numpy as np

B = 16384
NUM_USERS = 1000000
D = 16
SEM_CODEBOOK = 256
SEM_LEVELS = 4
NUM_CAT = 1 + SEM_LEVELS  # 5
IU = np.triu_indices(NUM_CAT, k=1)  # 10 pairs


def setup_inputs(seed: int = 0) -> dict:
    key = jax.random.key(seed)
    ks = jax.random.split(key, 9)
    user = jax.random.randint(ks[0], (B,), 0, NUM_USERS, dtype=jnp.int64 if jax.config.jax_enable_x64 else jnp.int32)
    sem_codes = jax.random.randint(ks[1], (B, SEM_LEVELS), 0, SEM_CODEBOOK, dtype=jnp.int64 if jax.config.jax_enable_x64 else jnp.int32)
    user_table = jax.random.normal(ks[2], (NUM_USERS, D), dtype=jnp.float32) * 0.01
    sem_tables = jax.random.normal(ks[3], (SEM_LEVELS, SEM_CODEBOOK, D), dtype=jnp.float32) * 0.01
    W1 = jax.random.normal(ks[4], (10, 128), dtype=jnp.float32) * 0.05
    b1 = jnp.zeros((128,), dtype=jnp.float32)
    W2 = jax.random.normal(ks[5], (128, 64), dtype=jnp.float32) * 0.05
    b2 = jnp.zeros((64,), dtype=jnp.float32)
    W3 = jax.random.normal(ks[6], (64, 1), dtype=jnp.float32) * 0.05
    b3 = jnp.zeros((1,), dtype=jnp.float32)
    return {
        'user_table': user_table, 'sem_tables': sem_tables,
        'W1': W1, 'b1': b1, 'W2': W2, 'b2': b2, 'W3': W3, 'b3': b3,
        'user': user, 'sem_codes': sem_codes,
    }


def reference(user_table, sem_tables, W1, b1, W2, b2, W3, b3, user, sem_codes):
    # embedding lookups (SparseCore gathers)
    feats = [jnp.take(user_table, user, axis=0)]
    for l in range(SEM_LEVELS):
        idx = jnp.clip(sem_codes[:, l], 0, SEM_CODEBOOK - 1)
        feats.append(jnp.take(sem_tables[l], idx, axis=0))
    cat = jnp.stack(feats, axis=1)  # [B, 5, D]
    # dot interaction
    Z = jnp.einsum('bnd,bmd->bnm', cat, cat)  # [B, 5, 5]
    inter = Z[:, IU[0], IU[1]]  # [B, 10]
    # top MLP (dropout=0 / eval mode -> identity)
    h = jax.nn.relu(inter @ W1 + b1)
    h = jax.nn.relu(h @ W2 + b2)
    logits = h @ W3 + b3
    return jax.nn.sigmoid(logits).reshape(-1)

if __name__ == "__main__":
    import jax
    _d = setup_inputs()
    print(jax.jit(kernel)(*tuple(_d.values())))

</pallas_src>

<mosaic_0001>
#map = affine_map<(d0, d1) -> (0, 0)>
#map1 = affine_map<(d0, d1) -> (0)>
module attributes {stable_mosaic.version = 14 : i64} {
  func.func @gather_kernel(%arg0: i32, %arg1: i32, %arg2: memref<16x1000000xf32, #tpu.memory_space<hbm>>, %arg3: memref<16384xi32, #tpu.memory_space<hbm>>, %arg4: memref<4x16384xi32, #tpu.memory_space<hbm>>, %arg5: memref<16384xf32, #tpu.memory_space<hbm>>, %arg6: memref<16384x80xf32, #tpu.memory_space<hbm>>, %arg7: memref<512xi32, #tpu.memory_space<vmem>>, %arg8: memref<4x512xi32, #tpu.memory_space<vmem>>, %arg9: memref<16384xf32, #tpu.memory_space<vmem>>, %arg10: memref<2x8x16x128xf32, #tpu.memory_space<vmem>>, %arg11: memref<512x80xf32, #tpu.memory_space<vmem>>, %arg12: memref<!tpu.dma_semaphore, #tpu.memory_space<semaphore_mem>>) attributes {dimension_semantics = [#tpu.dimension_semantics<core_parallel>, #tpu.dimension_semantics<subcore_parallel>], iteration_bounds = array<i64: 2, 16>, scalar_prefetch = 0 : i64, scratch_operands = 6 : i64, tpu.core_type = #tpu.core_type<sc_vector_subcore>, window_params = [{transform_indices = #map}, {transform_indices = #map1}, {transform_indices = #map}, {transform_indices = #map1}, {transform_indices = #map}]} {
    %mul3A = arith.constant 2 : i32
    %mul3A_0 = arith.muli %arg1, %mul3A : i32
    %add3A = arith.addi %mul3A_0, %arg0 : i32
    %mul3A_1 = arith.constant 512 : i32
    %mul3A_2 = arith.muli %add3A, %mul3A_1 : i32
    "tpu.region"() ({
      %run_scoped3A = tpu.sem_alloc : memref<!tpu.dma_semaphore, #tpu.memory_space<semaphore_mem>>
      %dma_start3A_257 = tpu.memref_slice %arg3[%mul3A_2] : memref<16384xi32, #tpu.memory_space<hbm>> -> memref<512xi32, #tpu.memory_space<hbm>>
      %dma_start3A_258 = tpu.memref_slice %arg3[%mul3A_2] : memref<16384xi32, #tpu.memory_space<hbm>> -> memref<512xi32, #tpu.memory_space<hbm>>
      tpu.enqueue_dma source(%dma_start3A_258 : memref<512xi32, #tpu.memory_space<hbm>>) target(%arg7 : memref<512xi32, #tpu.memory_space<vmem>>) target_semaphore(%run_scoped3A : memref<!tpu.dma_semaphore, #tpu.memory_space<semaphore_mem>>)
      %dma_wait3A = tpu.memref_slice %arg3[%mul3A_2] : memref<16384xi32, #tpu.memory_space<hbm>> -> memref<512xi32, #tpu.memory_space<hbm>>
      %dma_wait3A_259 = tpu.memref_slice %arg3[%mul3A_2] : memref<16384xi32, #tpu.memory_space<hbm>> -> memref<512xi32, #tpu.memory_space<hbm>>
      tpu.wait_dma2 semaphore(%run_scoped3A : memref<!tpu.dma_semaphore, #tpu.memory_space<semaphore_mem>>) src(%dma_wait3A_259 : memref<512xi32, #tpu.memory_space<hbm>>) dst(%arg7 : memref<512xi32, #tpu.memory_space<vmem>>)
      tpu.yield
    }) : () -> ()
    "tpu.region"() ({
      %run_scoped3A = tpu.sem_alloc : memref<!tpu.dma_semaphore, #tpu.memory_space<semaphore_mem>>
      %dma_start3A_257 = arith.constant 0 : i32
      %dma_start3A_258 = tpu.memref_slice %arg4[%dma_start3A_257, %mul3A_2] : memref<4x16384xi32, #tpu.memory_space<hbm>> -> memref<4x512xi32, #tpu.memory_space<hbm>>
      %dma_start3A_259 = arith.constant 0 : i32
      %dma_start3A_260 = tpu.memref_slice %arg4[%dma_start3A_259, %mul3A_2] : memref<4x16384xi32, #tpu.memory_space<hbm>> -> memref<4x512xi32, #tpu.memory_space<hbm>>
      tpu.enqueue_dma source(%dma_start3A_260 : memref<4x512xi32, #tpu.memory_space<hbm>>) target(%arg8 : memref<4x512xi32, #tpu.memory_space<vmem>>) target_semaphore(%run_scoped3A : memref<!tpu.dma_semaphore, #tpu.memory_space<semaphore_mem>>)
      %dma_wait3A = arith.constant 0 : i32
      %dma_wait3A_261 = tpu.memref_slice %arg4[%dma_wait3A, %mul3A_2] : memref<4x16384xi32, #tpu.memory_space<hbm>> -> memref<4x512xi32, #tpu.memory_space<hbm>>
      %dma_wait3A_262 = arith.constant 0 : i32
      %dma_wait3A_263 = tpu.memref_slice %arg4[%dma_wait3A_262, %mul3A_2] : memref<4x16384xi32, #tpu.memory_space<hbm>> -> memref<4x512xi32, #tpu.memory_space<hbm>>
      tpu.wait_dma2 semaphore(%run_scoped3A : memref<!tpu.dma_semaphore, #tpu.memory_space<semaphore_mem>>) src(%dma_wait3A_263 : memref<4x512xi32, #tpu.memory_space<hbm>>) dst(%arg8 : memref<4x512xi32, #tpu.memory_space<vmem>>)
      tpu.yield
    }) : () -> ()
    "tpu.region"() ({
      %run_scoped3A = tpu.sem_alloc : memref<!tpu.dma_semaphore, #tpu.memory_space<semaphore_mem>>
      tpu.enqueue_dma source(%arg5 : memref<16384xf32, #tpu.memory_space<hbm>>) target(%arg9 : memref<16384xf32, #tpu.memory_space<vmem>>) target_semaphore(%run_scoped3A : memref<!tpu.dma_semaphore, #tpu.memory_space<semaphore_mem>>)
      tpu.wait_dma2 semaphore(%run_scoped3A : memref<!tpu.dma_semaphore, #tpu.memory_space<semaphore_mem>>) src(%arg5 : memref<16384xf32, #tpu.memory_space<hbm>>) dst(%arg9 : memref<16384xf32, #tpu.memory_space<vmem>>)
      tpu.yield
    }) : () -> ()
    %iota3A = tpu.iota {dimensions = array<i32: 0>} : vector<16xi32>
    %rem3A = arith.constant 0 : i32
    %rem3A_3 = arith.constant 2 : i32
    %rem3A_4 = arith.remsi %rem3A, %rem3A_3 : i32
    %get3A = arith.constant 0 : index
    %get3A_5 = tpu.vector_load %arg7[%get3A] {strides = array<i32>} : memref<512xi32, #tpu.memory_space<vmem>>, vector<16xi32>,
    %jit3A = arith.constant 0 : i32
    %jit3A_6 = arith.constant 999999 : i32
    %max3A = vector.broadcast %jit3A : i32 to vector<16xi32>
    %max3A_7 = arith.maxsi %max3A, %get3A_5 : vector<16xi32>
    %min3A = vector.broadcast %jit3A_6 : i32 to vector<16xi32>
    %min3A_8 = arith.minsi %min3A, %max3A_7 : vector<16xi32>
    %shift_right_logical3A = arith.constant 7 : i32
    %shift_right_logical3A_9 = vector.broadcast %shift_right_logical3A : i32 to vector<16xi32>
    %shift_right_logical3A_10 = arith.shrui %min3A_8, %shift_right_logical3A_9 : vector<16xi32>
    %shift_left3A = arith.constant 7 : i32
    %shift_left3A_11 = vector.broadcast %shift_left3A : i32 to vector<16xi32>
    %shift_left3A_12 = arith.shli %shift_right_logical3A_10, %shift_left3A_11 : vector<16xi32>
    %rem3A_13 = arith.constant 0 : i32
    %rem3A_14 = arith.constant 2 : i32
    %rem3A_15 = arith.remsi %rem3A_13, %rem3A_14 : i32
    %mul3A_16 = arith.constant 8 : i32
    %mul3A_17 = arith.muli %rem3A_15, %mul3A_16 : i32
    %add3A_18 = arith.constant 0 : i32
    %add3A_19 = arith.addi %mul3A_17, %add3A_18 : i32
    %eq3A = vector.broadcast %add3A_19 : i32 to vector<16xi32>
    %eq3A_20 = arith.cmpi eq, %iota3A, %eq3A : vector<16xi32>
    %jit3A_21 = arith.constant 0 : i32
    %broadcast_in_dim3A = vector.broadcast %jit3A_21 : i32 to vector<16xi32>
    %select_n3A = arith.select %eq3A_20, %shift_left3A_12, %broadcast_in_dim3A : vector<16xi1>, vector<16xi32>
    %reduce_max3A = arith.constant true
    %reduce_max3A_22 = vector.broadcast %reduce_max3A : i1 to vector<16xi1>
    %reduce_max3A_23 = arith.constant -2147483648 : i32
    %reduce_max3A_24 = vector.broadcast %reduce_max3A_23 : i32 to vector<16xi32>
    %reduce_max3A_25 = arith.xori %select_n3A, %reduce_max3A_24 : vector<16xi32>
    %reduce_max3A_26 = tpu.scan <max>, %reduce_max3A_25 masked %reduce_max3A_22 : vector<16xi32>, vector<16xi1> -> vector<16xi32>
    %reduce_max3A_27 = arith.xori %reduce_max3A_26, %reduce_max3A_24 : vector<16xi32>
    %reduce_max3A_28 = vector.extract %reduce_max3A_27[15] : i32 from vector<16xi32>
    %multiple_of3A = tpu.assume_multiple %reduce_max3A_28, 128 : i32
    %dma_start3A = arith.constant 0 : i32
    %dma_start3A_29 = arith.constant 0 : i32
    %dma_start3A_30 = arith.constant 0 : i32
    %dma_start3A_31 = tpu.memref_slice %arg10[%rem3A_4, %dma_start3A, %dma_start3A_29, %dma_start3A_30] : memref<2x8x16x128xf32, #tpu.memory_space<vmem>> -> memref<1x1x16x128xf32, #tpu.memory_space<vmem>>
    %dma_start3A_32 = tpu.memref_squeeze %dma_start3A_31 : memref<1x1x16x128xf32, #tpu.memory_space<vmem>> -> memref<16x128xf32, #tpu.memory_space<vmem>>
    %dma_start3A_33 = arith.constant 0 : i32
    %dma_start3A_34 = tpu.memref_slice %arg2[%dma_start3A_33, %multiple_of3A] : memref<16x1000000xf32, #tpu.memory_space<hbm>> -> memref<16x128xf32, #tpu.memory_space<hbm>>
    %dma_start3A_35 = arith.constant 0 : i32
    %dma_start3A_36 = arith.constant 0 : i32
    %dma_start3A_37 = tpu.memref_slice %arg10[%rem3A_4, %dma_start3A, %dma_start3A_35, %dma_start3A_36] : memref<2x8x16x128xf32, #tpu.memory_space<vmem>> -> memref<1x1x16x128xf32, #tpu.memory_space<vmem>>
    %dma_start3A_38 = tpu.memref_squeeze %dma_start3A_37 : memref<1x1x16x128xf32, #tpu.memory_space<vmem>> -> memref<16x128xf32, #tpu.memory_space<vmem>>
    %dma_start3A_39 = arith.constant 0 : i32
    %dma_start3A_40 = tpu.memref_slice %arg2[%dma_start3A_39, %multiple_of3A] : memref<16x1000000xf32, #tpu.memory_space<hbm>> -> memref<16x128xf32, #tpu.memory_space<hbm>>
    tpu.enqueue_dma source(%dma_start3A_40 : memref<16x128xf32, #tpu.memory_space<hbm>>) target(%dma_start3A_38 : memref<16x128xf32, #tpu.memory_space<vmem>>) target_semaphore(%arg12 : memref<!tpu.dma_semaphore, #tpu.memory_space<semaphore_mem>>)
    %add3A_41 = arith.constant 1 : i32
    %add3A_42 = arith.addi %mul3A_17, %add3A_41 : i32
    %eq3A_43 = vector.broadcast %add3A_42 : i32 to vector<16xi32>
    %eq3A_44 = arith.cmpi eq, %iota3A, %eq3A_43 : vector<16xi32>
    %jit3A_45 = arith.constant 0 : i32
    %broadcast_in_dim3A_46 = vector.broadcast %jit3A_45 : i32 to vector<16xi32>
    %select_n3A_47 = arith.select %eq3A_44, %shift_left3A_12, %broadcast_in_dim3A_46 : vector<16xi1>, vector<16xi32>
    %reduce_max3A_48 = arith.constant true
    %reduce_max3A_49 = vector.broadcast %reduce_max3A_48 : i1 to vector<16xi1>
    %reduce_max3A_50 = arith.constant -2147483648 : i32
    %reduce_max3A_51 = vector.broadcast %reduce_max3A_50 : i32 to vector<16xi32>
    %reduce_max3A_52 = arith.xori %select_n3A_47, %reduce_max3A_51 : vector<16xi32>
    %reduce_max3A_53 = tpu.scan <max>, %reduce_max3A_52 masked %reduce_max3A_49 : vector<16xi32>, vector<16xi1> -> vector<16xi32>
    %reduce_max3A_54 = arith.xori %reduce_max3A_53, %reduce_max3A_51 : vector<16xi32>
    %reduce_max3A_55 = vector.extract %reduce_max3A_54[15] : i32 from vector<16xi32>
    %multiple_of3A_56 = tpu.assume_multiple %reduce_max3A_55, 128 : i32
    %dma_start3A_57 = arith.constant 1 : i32
    %dma_start3A_58 = arith.constant 0 : i32
    %dma_start3A_59 = arith.constant 0 : i32
    %dma_start3A_60 = tpu.memref_slice %arg10[%rem3A_4, %dma_start3A_57, %dma_start3A_58, %dma_start3A_59] : memref<2x8x16x128xf32, #tpu.memory_space<vmem>> -> memref<1x1x16x128xf32, #tpu.memory_space<vmem>>
    %dma_start3A_61 = tpu.memref_squeeze %dma_start3A_60 : memref<1x1x16x128xf32, #tpu.memory_space<vmem>> -> memref<16x128xf32, #tpu.memory_space<vmem>>
    %dma_start3A_62 = arith.constant 0 : i32
    %dma_start3A_63 = tpu.memref_slice %arg2[%dma_start3A_62, %multiple_of3A_56] : memref<16x1000000xf32, #tpu.memory_space<hbm>> -> memref<16x128xf32, #tpu.memory_space<hbm>>
    %dma_start3A_64 = arith.constant 0 : i32
    %dma_start3A_65 = arith.constant 0 : i32
    %dma_start3A_66 = tpu.memref_slice %arg10[%rem3A_4, %dma_start3A_57, %dma_start3A_64, %dma_start3A_65] : memref<2x8x16x128xf32, #tpu.memory_space<vmem>> -> memref<1x1x16x128xf32, #tpu.memory_space<vmem>>
    %dma_start3A_67 = tpu.memref_squeeze %dma_start3A_66 : memref<1x1x16x128xf32, #tpu.memory_space<vmem>> -> memref<16x128xf32, #tpu.memory_space<vmem>>
    %dma_start3A_68 = arith.constant 0 : i32
    %dma_start3A_69 = tpu.memref_slice %arg2[%dma_start3A_68, %multiple_of3A_56] : memref<16x1000000xf32, #tpu.memory_space<hbm>> -> memref<16x128xf32, #tpu.memory_space<hbm>>
    tpu.enqueue_dma source(%dma_start3A_69 : memref<16x128xf32, #tpu.memory_space<hbm>>) target(%dma_start3A_67 : memref<16x128xf32, #tpu.memory_space<vmem>>) target_semaphore(%arg12 : memref<!tpu.dma_semaphore, #tpu.memory_space<semaphore_mem>>)
    %add3A_70 = arith.constant 2 : i32
    %add3A_71 = arith.addi %mul3A_17, %add3A_70 : i32
    %eq3A_72 = vector.broadcast %add3A_71 : i32 to vector<16xi32>
    %eq3A_73 = arith.cmpi eq, %iota3A, %eq3A_72 : vector<16xi32>
    %jit3A_74 = arith.constant 0 : i32
    %broadcast_in_dim3A_75 = vector.broadcast %jit3A_74 : i32 to vector<16xi32>
    %select_n3A_76 = arith.select %eq3A_73, %shift_left3A_12, %broadcast_in_dim3A_75 : vector<16xi1>, vector<16xi32>
    %reduce_max3A_77 = arith.constant true
    %reduce_max3A_78 = vector.broadcast %reduce_max3A_77 : i1 to vector<16xi1>
    %reduce_max3A_79 = arith.constant -2147483648 : i32
    %reduce_max3A_80 = vector.broadcast %reduce_max3A_79 : i32 to vector<16xi32>
    %reduce_max3A_81 = arith.xori %select_n3A_76, %reduce_max3A_80 : vector<16xi32>
    %reduce_max3A_82 = tpu.scan <max>, %reduce_max3A_81 masked %reduce_max3A_78 : vector<16xi32>, vector<16xi1> -> vector<16xi32>
    %reduce_max3A_83 = arith.xori %reduce_max3A_82, %reduce_max3A_80 : vector<16xi32>
    %reduce_max3A_84 = vector.extract %reduce_max3A_83[15] : i32 from vector<16xi32>
    %multiple_of3A_85 = tpu.assume_multiple %reduce_max3A_84, 128 : i32
    %dma_start3A_86 = arith.constant 2 : i32
    %dma_start3A_87 = arith.constant 0 : i32
    %dma_start3A_88 = arith.constant 0 : i32
    %dma_start3A_89 = tpu.memref_slice %arg10[%rem3A_4, %dma_start3A_86, %dma_start3A_87, %dma_start3A_88] : memref<2x8x16x128xf32, #tpu.memory_space<vmem>> -> memref<1x1x16x128xf32, #tpu.memory_space<vmem>>
    %dma_start3A_90 = tpu.memref_squeeze %dma_start3A_89 : memref<1x1x16x128xf32, #tpu.memory_space<vmem>> -> memref<16x128xf32, #tpu.memory_space<vmem>>
    %dma_start3A_91 = arith.constant 0 : i32
    %dma_start3A_92 = tpu.memref_slice %arg2[%dma_start3A_91, %multiple_of3A_85] : memref<16x1000000xf32, #tpu.memory_space<hbm>> -> memref<16x128xf32, #tpu.memory_space<hbm>>
    %dma_start3A_93 = arith.constant 0 : i32
    %dma_start3A_94 = arith.constant 0 : i32
    %dma_start3A_95 = tpu.memref_slice %arg10[%rem3A_4, %dma_start3A_86, %dma_start3A_93, %dma_start3A_94] : memref<2x8x16x128xf32, #tpu.memory_space<vmem>> -> memref<1x1x16x128xf32, #tpu.memory_space<vmem>>
    %dma_start3A_96 = tpu.memref_squeeze %dma_start3A_95 : memref<1x1x16x128xf32, #tpu.memory_space<vmem>> -> memref<16x128xf32, #tpu.memory_space<vmem>>
    %dma_start3A_97 = arith.constant 0 : i32
    %dma_start3A_98 = tpu.memref_slice %arg2[%dma_start3A_97, %multiple_of3A_85] : memref<16x1000000xf32, #tpu.memory_space<hbm>> -> memref<16x128xf32, #tpu.memory_space<hbm>>
    tpu.enqueue_dma source(%dma_start3A_98 : memref<16x128xf32, #tpu.memory_space<hbm>>) target(%dma_start3A_96 : memref<16x128xf32, #tpu.memory_space<vmem>>) target_semaphore(%arg12 : memref<!tpu.dma_semaphore, #tpu.memory_space<semaphore_mem>>)
    %add3A_99 = arith.constant 3 : i32
    %add3A_100 = arith.addi %mul3A_17, %add3A_99 : i32
    %eq3A_101 = vector.broadcast %add3A_100 : i32 to vector<16xi32>
    %eq3A_102 = arith.cmpi eq, %iota3A, %eq3A_101 : vector<16xi32>
    %jit3A_103 = arith.constant 0 : i32
    %broadcast_in_dim3A_104 = vector.broadcast %jit3A_103 : i32 to vector<16xi32>
    %select_n3A_105 = arith.select %eq3A_102, %shift_left3A_12, %broadcast_in_dim3A_104 : vector<16xi1>, vector<16xi32>
    %reduce_max3A_106 = arith.constant true
    %reduce_max3A_107 = vector.broadcast %reduce_max3A_106 : i1 to vector<16xi1>
    %reduce_max3A_108 = arith.constant -2147483648 : i32
    %reduce_max3A_109 = vector.broadcast %reduce_max3A_108 : i32 to vector<16xi32>
    %reduce_max3A_110 = arith.xori %select_n3A_105, %reduce_max3A_109 : vector<16xi32>
    %reduce_max3A_111 = tpu.scan <max>, %reduce_max3A_110 masked %reduce_max3A_107 : vector<16xi32>, vector<16xi1> -> vector<16xi32>
    %reduce_max3A_112 = arith.xori %reduce_max3A_111, %reduce_max3A_109 : vector<16xi32>
    %reduce_max3A_113 = vector.extract %reduce_max3A_112[15] : i32 from vector<16xi32>
    %multiple_of3A_114 = tpu.assume_multiple %reduce_max3A_113, 128 : i32
    %dma_start3A_115 = arith.constant 3 : i32
    %dma_start3A_116 = arith.constant 0 : i32
    %dma_start3A_117 = arith.constant 0 : i32
    %dma_start3A_118 = tpu.memref_slice %arg10[%rem3A_4, %dma_start3A_115, %dma_start3A_116, %dma_start3A_117] : memref<2x8x16x128xf32, #tpu.memory_space<vmem>> -> memref<1x1x16x128xf32, #tpu.memory_space<vmem>>
    %dma_start3A_119 = tpu.memref_squeeze %dma_start3A_118 : memref<1x1x16x128xf32, #tpu.memory_space<vmem>> -> memref<16x128xf32, #tpu.memory_space<vmem>>
    %dma_start3A_120 = arith.constant 0 : i32
    %dma_start3A_121 = tpu.memref_slice %arg2[%dma_start3A_120, %multiple_of3A_114] : memref<16x1000000xf32, #tpu.memory_space<hbm>> -> memref<16x128xf32, #tpu.memory_space<hbm>>
    %dma_start3A_122 = arith.constant 0 : i32
    %dma_start3A_123 = arith.constant 0 : i32
    %dma_start3A_124 = tpu.memref_slice %arg10[%rem3A_4, %dma_start3A_115, %dma_start3A_122, %dma_start3A_123] : memref<2x8x16x128xf32, #tpu.memory_space<vmem>> -> memref<1x1x16x128xf32, #tpu.memory_space<vmem>>
    %dma_start3A_125 = tpu.memref_squeeze %dma_start3A_124 : memref<1x1x16x128xf32, #tpu.memory_space<vmem>> -> memref<16x128xf32, #tpu.memory_space<vmem>>
    %dma_start3A_126 = arith.constant 0 : i32
    %dma_start3A_127 = tpu.memref_slice %arg2[%dma_start3A_126, %multiple_of3A_114] : memref<16x1000000xf32, #tpu.memory_space<hbm>> -> memref<16x128xf32, #tpu.memory_space<hbm>>
    tpu.enqueue_dma source(%dma_start3A_127 : memref<16x128xf32, #tpu.memory_space<hbm>>) target(%dma_start3A_125 : memref<16x128xf32, #tpu.memory_space<vmem>>) target_semaphore(%arg12 : memref<!tpu.dma_semaphore, #tpu.memory_space<semaphore_mem>>)
    %add3A_128 = arith.constant 4 : i32
    %add3A_129 = arith.addi %mul3A_17, %add3A_128 : i32
    %eq3A_130 = vector.broadcast %add3A_129 : i32 to vector<16xi32>
    %eq3A_131 = arith.cmpi eq, %iota3A, %eq3A_130 : vector<16xi32>
    %jit3A_132 = arith.constant 0 : i32
    %broadcast_in_dim3A_133 = vector.broadcast %jit3A_132 : i32 to vector<16xi32>
    %select_n3A_134 = arith.select %eq3A_131, %shift_left3A_12, %broadcast_in_dim3A_133 : vector<16xi1>, vector<16xi32>
    %reduce_max3A_135 = arith.constant true
    %reduce_max3A_136 = vector.broadcast %reduce_max3A_135 : i1 to vector<16xi1>
    %reduce_max3A_137 = arith.constant -2147483648 : i32
    %reduce_max3A_138 = vector.broadcast %reduce_max3A_137 : i32 to vector<16xi32>
    %reduce_max3A_139 = arith.xori %select_n3A_134, %reduce_max3A_138 : vector<16xi32>
    %reduce_max3A_140 = tpu.scan <max>, %reduce_max3A_139 masked %reduce_max3A_136 : vector<16xi32>, vector<16xi1> -> vector<16xi32>
    %reduce_max3A_141 = arith.xori %reduce_max3A_140, %reduce_max3A_138 : vector<16xi32>
    %reduce_max3A_142 = vector.extract %reduce_max3A_141[15] : i32 from vector<16xi32>
    %multiple_of3A_143 = tpu.assume_multiple %reduce_max3A_142, 128 : i32
    %dma_start3A_144 = arith.constant 4 : i32
    %dma_start3A_145 = arith.constant 0 : i32
    %dma_start3A_146 = arith.constant 0 : i32
    %dma_start3A_147 = tpu.memref_slice %arg10[%rem3A_4, %dma_start3A_144, %dma_start3A_145, %dma_start3A_146] : memref<2x8x16x128xf32, #tpu.memory_space<vmem>> -> memref<1x1x16x128xf32, #tpu.memory_space<vmem>>
    %dma_start3A_148 = tpu.memref_squeeze %dma_start3A_147 : memref<1x1x16x128xf32, #tpu.memory_space<vmem>> -> memref<16x128xf32, #tpu.memory_space<vmem>>
    %dma_start3A_149 = arith.constant 0 : i32
    %dma_start3A_150 = tpu.memref_slice %arg2[%dma_start3A_149, %multiple_of3A_143] : memref<16x1000000xf32, #tpu.memory_space<hbm>> -> memref<16x128xf32, #tpu.memory_space<hbm>>
    %dma_start3A_151 = arith.constant 0 : i32
    %dma_start3A_152 = arith.constant 0 : i32
    %dma_start3A_153 = tpu.memref_slice %arg10[%rem3A_4, %dma_start3A_144, %dma_start3A_151, %dma_start3A_152] : memref<2x8x16x128xf32, #tpu.memory_space<vmem>> -> memref<1x1x16x128xf32, #tpu.memory_space<vmem>>
    %dma_start3A_154 = tpu.memref_squeeze %dma_start3A_153 : memref<1x1x16x128xf32, #tpu.memory_space<vmem>> -> memref<16x128xf32, #tpu.memory_space<vmem>>
    %dma_start3A_155 = arith.constant 0 : i32
    %dma_start3A_156 = tpu.memref_slice %arg2[%dma_start3A_155, %multiple_of3A_143] : memref<16x1000000xf32, #tpu.memory_space<hbm>> -> memref<16x128xf32, #tpu.memory_space<hbm>>
    tpu.enqueue_dma source(%dma_start3A_156 : memref<16x128xf32, #tpu.memory_space<hbm>>) target(%dma_start3A_154 : memref<16x128xf32, #tpu.memory_space<vmem>>) target_semaphore(%arg12 : memref<!tpu.dma_semaphore, #tpu.memory_space<semaphore_mem>>)
    %add3A_157 = arith.constant 5 : i32
    %add3A_158 = arith.addi %mul3A_17, %add3A_157 : i32
    %eq3A_159 = vector.broadcast %add3A_158 : i32 to vector<16xi32>
    %eq3A_160 = arith.cmpi eq, %iota3A, %eq3A_159 : vector<16xi32>
    %jit3A_161 = arith.constant 0 : i32
    %broadcast_in_dim3A_162 = vector.broadcast %jit3A_161 : i32 to vector<16xi32>
    %select_n3A_163 = arith.select %eq3A_160, %shift_left3A_12, %broadcast_in_dim3A_162 : vector<16xi1>, vector<16xi32>
    %reduce_max3A_164 = arith.constant true
    %reduce_max3A_165 = vector.broadcast %reduce_max3A_164 : i1 to vector<16xi1>
    %reduce_max3A_166 = arith.constant -2147483648 : i32
    %reduce_max3A_167 = vector.broadcast %reduce_max3A_166 : i32 to vector<16xi32>
    %reduce_max3A_168 = arith.xori %select_n3A_163, %reduce_max3A_167 : vector<16xi32>
    %reduce_max3A_169 = tpu.scan <max>, %reduce_max3A_168 masked %reduce_max3A_165 : vector<16xi32>, vector<16xi1> -> vector<16xi32>
    %reduce_max3A_170 = arith.xori %reduce_max3A_169, %reduce_max3A_167 : vector<16xi32>
    %reduce_max3A_171 = vector.extract %reduce_max3A_170[15] : i32 from vector<16xi32>
    %multiple_of3A_172 = tpu.assume_multiple %reduce_max3A_171, 128 : i32
    %dma_start3A_173 = arith.constant 5 : i32
    %dma_start3A_174 = arith.constant 0 : i32
    %dma_start3A_175 = arith.constant 0 : i32
    %dma_start3A_176 = tpu.memref_slice %arg10[%rem3A_4, %dma_start3A_173, %dma_start3A_174, %dma_start3A_175] : memref<2x8x16x128xf32, #tpu.memory_space<vmem>> -> memref<1x1x16x128xf32, #tpu.memory_space<vmem>>
    %dma_start3A_177 = tpu.memref_squeeze %dma_start3A_176 : memref<1x1x16x128xf32, #tpu.memory_space<vmem>> -> memref<16x128xf32, #tpu.memory_space<vmem>>
    %dma_start3A_178 = arith.constant 0 : i32
    %dma_start3A_179 = tpu.memref_slice %arg2[%dma_start3A_178, %multiple_of3A_172] : memref<16x1000000xf32, #tpu.memory_space<hbm>> -> memref<16x128xf32, #tpu.memory_space<hbm>>
    %dma_start3A_180 = arith.constant 0 : i32
    %dma_start3A_181 = arith.constant 0 : i32
    %dma_start3A_182 = tpu.memref_slice %arg10[%rem3A_4, %dma_start3A_173, %dma_start3A_180, %dma_start3A_181] : memref<2x8x16x128xf32, #tpu.memory_space<vmem>> -> memref<1x1x16x128xf32, #tpu.memory_space<vmem>>
    %dma_start3A_183 = tpu.memref_squeeze %dma_start3A_182 : memref<1x1x16x128xf32, #tpu.memory_space<vmem>> -> memref<16x128xf32, #tpu.memory_space<vmem>>
    %dma_start3A_184 = arith.constant 0 : i32
    %dma_start3A_185 = tpu.memref_slice %arg2[%dma_start3A_184, %multiple_of3A_172] : memref<16x1000000xf32, #tpu.memory_space<hbm>> -> memref<16x128xf32, #tpu.memory_space<hbm>>
    tpu.enqueue_dma source(%dma_start3A_185 : memref<16x128xf32, #tpu.memory_space<hbm>>) target(%dma_start3A_183 : memref<16x128xf32, #tpu.memory_space<vmem>>) target_semaphore(%arg12 : memref<!tpu.dma_semaphore, #tpu.memory_space<semaphore_mem>>)
    %add3A_186 = arith.constant 6 : i32
    %add3A_187 = arith.addi %mul3A_17, %add3A_186 : i32
    %eq3A_188 = vector.broadcast %add3A_187 : i32 to vector<16xi32>
    %eq3A_189 = arith.cmpi eq, %iota3A, %eq3A_188 : vector<16xi32>
    %jit3A_190 = arith.constant 0 : i32
    %broadcast_in_dim3A_191 = vector.broadcast %jit3A_190 : i32 to vector<16xi32>
    %select_n3A_192 = arith.select %eq3A_189, %shift_left3A_12, %broadcast_in_dim3A_191 : vector<16xi1>, vector<16xi32>
    %reduce_max3A_193 = arith.constant true
    %reduce_max3A_194 = vector.broadcast %reduce_max3A_193 : i1 to vector<16xi1>
    %reduce_max3A_195 = arith.constant -2147483648 : i32
    %reduce_max3A_196 = vector.broadcast %reduce_max3A_195 : i32 to vector<16xi32>
    %reduce_max3A_197 = arith.xori %select_n3A_192, %reduce_max3A_196 : vector<16xi32>
    %reduce_max3A_198 = tpu.scan <max>, %reduce_max3A_197 masked %reduce_max3A_194 : vector<16xi32>, vector<16xi1> -> vector<16xi32>
    %reduce_max3A_199 = arith.xori %reduce_max3A_198, %reduce_max3A_196 : vector<16xi32>
    %reduce_max3A_200 = vector.extract %reduce_max3A_199[15] : i32 from vector<16xi32>
    %multiple_of3A_201 = tpu.assume_multiple %reduce_max3A_200, 128 : i32
    %dma_start3A_202 = arith.constant 6 : i32
    %dma_start3A_203 = arith.constant 0 : i32
    %dma_start3A_204 = arith.constant 0 : i32
    %dma_start3A_205 = tpu.memref_slice %arg10[%rem3A_4, %dma_start3A_202, %dma_start3A_203, %dma_start3A_204] : memref<2x8x16x128xf32, #tpu.memory_space<vmem>> -> memref<1x1x16x128xf32, #tpu.memory_space<vmem>>
    %dma_start3A_206 = tpu.memref_squeeze %dma_start3A_205 : memref<1x1x16x128xf32, #tpu.memory_space<vmem>> -> memref<16x128xf32, #tpu.memory_space<vmem>>
    %dma_start3A_207 = arith.constant 0 : i32
    %dma_start3A_208 = tpu.memref_slice %arg2[%dma_start3A_207, %multiple_of3A_201] : memref<16x1000000xf32, #tpu.memory_space<hbm>> -> memref<16x128xf32, #tpu.memory_space<hbm>>
    %dma_start3A_209 = arith.constant 0 : i32
    %dma_start3A_210 = arith.constant 0 : i32
    %dma_start3A_211 = tpu.memref_slice %arg10[%rem3A_4, %dma_start3A_202, %dma_start3A_209, %dma_start3A_210] : memref<2x8x16x128xf32, #tpu.memory_space<vmem>> -> memref<1x1x16x128xf32, #tpu.memory_space<vmem>>
    %dma_start3A_212 = tpu.memref_squeeze %dma_start3A_211 : memref<1x1x16x128xf32, #tpu.memory_space<vmem>> -> memref<16x128xf32, #tpu.memory_space<vmem>>
    %dma_start3A_213 = arith.constant 0 : i32
    %dma_start3A_214 = tpu.memref_slice %arg2[%dma_start3A_213, %multiple_of3A_201] : memref<16x1000000xf32, #tpu.memory_space<hbm>> -> memref<16x128xf32, #tpu.memory_space<hbm>>
    tpu.enqueue_dma source(%dma_start3A_214 : memref<16x128xf32, #tpu.memory_space<hbm>>) target(%dma_start3A_212 : memref<16x128xf32, #tpu.memory_space<vmem>>) target_semaphore(%arg12 : memref<!tpu.dma_semaphore, #tpu.memory_space<semaphore_mem>>)
    %add3A_215 = arith.constant 7 : i32
    %add3A_216 = arith.addi %mul3A_17, %add3A_215 : i32
    %eq3A_217 = vector.broadcast %add3A_216 : i32 to vector<16xi32>
    %eq3A_218 = arith.cmpi eq, %iota3A, %eq3A_217 : vector<16xi32>
    %jit3A_219 = arith.constant 0 : i32
    %broadcast_in_dim3A_220 = vector.broadcast %jit3A_219 : i32 to vector<16xi32>
    %select_n3A_221 = arith.select %eq3A_218, %shift_left3A_12, %broadcast_in_dim3A_220 : vector<16xi1>, vector<16xi32>
    %reduce_max3A_222 = arith.constant true
    %reduce_max3A_223 = vector.broadcast %reduce_max3A_222 : i1 to vector<16xi1>
    %reduce_max3A_224 = arith.constant -2147483648 : i32
    %reduce_max3A_225 = vector.broadcast %reduce_max3A_224 : i32 to vector<16xi32>
    %reduce_max3A_226 = arith.xori %select_n3A_221, %reduce_max3A_225 : vector<16xi32>
    %reduce_max3A_227 = tpu.scan <max>, %reduce_max3A_226 masked %reduce_max3A_223 : vector<16xi32>, vector<16xi1> -> vector<16xi32>
    %reduce_max3A_228 = arith.xori %reduce_max3A_227, %reduce_max3A_225 : vector<16xi32>
    %reduce_max3A_229 = vector.extract %reduce_max3A_228[15] : i32 from vector<16xi32>
    %multiple_of3A_230 = tpu.assume_multiple %reduce_max3A_229, 128 : i32
    %dma_start3A_231 = arith.constant 7 : i32
    %dma_start3A_232 = arith.constant 0 : i32
    %dma_start3A_233 = arith.constant 0 : i32
    %dma_start3A_234 = tpu.memref_slice %arg10[%rem3A_4, %dma_start3A_231, %dma_start3A_232, %dma_start3A_233] : memref<2x8x16x128xf32, #tpu.memory_space<vmem>> -> memref<1x1x16x128xf32, #tpu.memory_space<vmem>>
    %dma_start3A_235 = tpu.memref_squeeze %dma_start3A_234 : memref<1x1x16x128xf32, #tpu.memory_space<vmem>> -> memref<16x128xf32, #tpu.memory_space<vmem>>
    %dma_start3A_236 = arith.constant 0 : i32
    %dma_start3A_237 = tpu.memref_slice %arg2[%dma_start3A_236, %multiple_of3A_230] : memref<16x1000000xf32, #tpu.memory_space<hbm>> -> memref<16x128xf32, #tpu.memory_space<hbm>>
    %dma_start3A_238 = arith.constant 0 : i32
    %dma_start3A_239 = arith.constant 0 : i32
    %dma_start3A_240 = tpu.memref_slice %arg10[%rem3A_4, %dma_start3A_231, %dma_start3A_238, %dma_start3A_239] : memref<2x8x16x128xf32, #tpu.memory_space<vmem>> -> memref<1x1x16x128xf32, #tpu.memory_space<vmem>>
    %dma_start3A_241 = tpu.memref_squeeze %dma_start3A_240 : memref<1x1x16x128xf32, #tpu.memory_space<vmem>> -> memref<16x128xf32, #tpu.memory_space<vmem>>
    %dma_start3A_242 = arith.constant 0 : i32
    %dma_start3A_243 = tpu.memref_slice %arg2[%dma_start3A_242, %multiple_of3A_230] : memref<16x1000000xf32, #tpu.memory_space<hbm>> -> memref<16x128xf32, #tpu.memory_space<hbm>>
    tpu.enqueue_dma source(%dma_start3A_243 : memref<16x128xf32, #tpu.memory_space<hbm>>) target(%dma_start3A_241 : memref<16x128xf32, #tpu.memory_space<vmem>>) target_semaphore(%arg12 : memref<!tpu.dma_semaphore, #tpu.memory_space<semaphore_mem>>)
    %scan3A = arith.constant 0 : i32
    %scan3A_244 = arith.constant 0 : i32
    %scan3A_245 = arith.constant 64 : i32
    %scan3A_246 = arith.addi %scan3A_244, %scan3A_245 : i32
    %scan3A_247 = arith.constant 1 : i32
    %scan3A_248 = scf.for %scan3A_257 = %scan3A_244 to %scan3A_246 step %scan3A_247 iter_args(%scan3A_258 = %scan3A) -> (i32)  : i32 {
      %add3A_259 = arith.constant 1 : i32
      %add3A_260 = arith.addi %scan3A_257, %add3A_259 : i32
      %lt3A = arith.constant 64 : i32
      %lt3A_261 = arith.cmpi slt, %add3A_260, %lt3A : i32
      %convert_element_type3A = arith.extui %lt3A_261 : i1 to i32
      %cond3A = arith.constant 0 : i32
      %cond3A_262 = arith.cmpi ne, %convert_element_type3A, %cond3A : i32
      scf.if %cond3A_262 {
        %add3A_635 = arith.constant 1 : i32
        %add3A_636 = arith.addi %scan3A_257, %add3A_635 : i32
        %rem3A_637 = arith.constant 2 : i32
        %rem3A_638 = arith.remsi %add3A_636, %rem3A_637 : i32
        %jit3A_639 = arith.constant 2 : i32
        %div3A_640 = arith.divsi %add3A_636, %jit3A_639 : i32
        %sign3A_641 = arith.constant 0 : i32
        %sign3A_642 = arith.cmpi sgt, %add3A_636, %sign3A_641 : i32
        %sign3A_643 = arith.extui %sign3A_642 : i1 to i32
        %sign3A_644 = arith.constant 0 : i32
        %sign3A_645 = arith.cmpi slt, %add3A_636, %sign3A_644 : i32
        %sign3A_646 = arith.extui %sign3A_645 : i1 to i32
        %sign3A_647 = arith.subi %sign3A_643, %sign3A_646 : i32
        %sign3A_648 = arith.constant 0 : i32
        %sign3A_649 = arith.cmpi sgt, %jit3A_639, %sign3A_648 : i32
        %sign3A_650 = arith.extui %sign3A_649 : i1 to i32
        %sign3A_651 = arith.constant 0 : i32
        %sign3A_652 = arith.cmpi slt, %jit3A_639, %sign3A_651 : i32
        %sign3A_653 = arith.extui %sign3A_652 : i1 to i32
        %sign3A_654 = arith.subi %sign3A_650, %sign3A_653 : i32
        %ne3A_655 = arith.cmpi ne, %sign3A_647, %sign3A_654 : i32
        %rem3A_656 = arith.remsi %add3A_636, %jit3A_639 : i32
        %ne3A_657 = arith.constant 0 : i32
        %ne3A_658 = arith.cmpi ne, %rem3A_656, %ne3A_657 : i32
        %and3A_659 = arith.andi %ne3A_655, %ne3A_658 : i1
        %sub3A_660 = arith.constant 1 : i32
        %sub3A_661 = arith.subi %div3A_640, %sub3A_660 : i32
        %select_n3A_662 = arith.select %and3A_659, %sub3A_661, %div3A_640 : i32
        %mul3A_663 = arith.constant 16 : i32
        %mul3A_664 = arith.muli %select_n3A_662, %mul3A_663 : i32
        %get3A_665 = arith.index_cast %mul3A_664 : i32 to index
        %get3A_666 = tpu.vector_load %arg7[%get3A_665] {strides = array<i32>} : memref<512xi32, #tpu.memory_space<vmem>>, vector<16xi32>,
        %jit3A_667 = arith.constant 0 : i32
        %jit3A_668 = arith.constant 999999 : i32
        %max3A_669 = vector.broadcast %jit3A_667 : i32 to vector<16xi32>
        %max3A_670 = arith.maxsi %max3A_669, %get3A_666 : vector<16xi32>
        %min3A_671 = vector.broadcast %jit3A_668 : i32 to vector<16xi32>
        %min3A_672 = arith.minsi %min3A_671, %max3A_670 : vector<16xi32>
        %shift_right_logical3A_673 = arith.constant 7 : i32
        %shift_right_logical3A_674 = vector.broadcast %shift_right_logical3A_673 : i32 to vector<16xi32>
        %shift_right_logical3A_675 = arith.shrui %min3A_672, %shift_right_logical3A_674 : vector<16xi32>
        %shift_left3A_676 = arith.constant 7 : i32
        %shift_left3A_677 = vector.broadcast %shift_left3A_676 : i32 to vector<16xi32>
        %shift_left3A_678 = arith.shli %shift_right_logical3A_675, %shift_left3A_677 : vector<16xi32>
        %rem3A_679 = arith.constant 2 : i32
        %rem3A_680 = arith.remsi %add3A_636, %rem3A_679 : i32
        %mul3A_681 = arith.constant 8 : i32
        %mul3A_682 = arith.muli %rem3A_680, %mul3A_681 : i32
        %add3A_683 = arith.constant 0 : i32
        %add3A_684 = arith.addi %mul3A_682, %add3A_683 : i32
        %eq3A_685 = vector.broadcast %add3A_684 : i32 to vector<16xi32>
        %eq3A_686 = arith.cmpi eq, %iota3A, %eq3A_685 : vector<16xi32>
        %jit3A_687 = arith.constant 0 : i32
        %broadcast_in_dim3A_688 = vector.broadcast %jit3A_687 : i32 to vector<16xi32>
        %select_n3A_689 = arith.select %eq3A_686, %shift_left3A_678, %broadcast_in_dim3A_688 : vector<16xi1>, vector<16xi32>
        %reduce_max3A_690 = arith.constant true
        %reduce_max3A_691 = vector.broadcast %reduce_max3A_690 : i1 to vector<16xi1>
        %reduce_max3A_692 = arith.constant -2147483648 : i32
        %reduce_max3A_693 = vector.broadcast %reduce_max3A_692 : i32 to vector<16xi32>
        %reduce_max3A_694 = arith.xori %select_n3A_689, %reduce_max3A_693 : vector<16xi32>
        %reduce_max3A_695 = tpu.scan <max>, %reduce_max3A_694 masked %reduce_max3A_691 : vector<16xi32>, vector<16xi1> -> vector<16xi32>
        %reduce_max3A_696 = arith.xori %reduce_max3A_695, %reduce_max3A_693 : vector<16xi32>
        %reduce_max3A_697 = vector.extract %reduce_max3A_696[15] : i32 from vector<16xi32>
        %multiple_of3A_698 = tpu.assume_multiple %reduce_max3A_697, 128 : i32
        %dma_start3A_699 = arith.constant 0 : i32
        %dma_start3A_700 = arith.constant 0 : i32
        %dma_start3A_701 = arith.constant 0 : i32
        %dma_start3A_702 = tpu.memref_slice %arg10[%rem3A_638, %dma_start3A_699, %dma_start3A_700, %dma_start3A_701] : memref<2x8x16x128xf32, #tpu.memory_space<vmem>> -> memref<1x1x16x128xf32, #tpu.memory_space<vmem>>
        %dma_start3A_703 = tpu.memref_squeeze %dma_start3A_702 : memref<1x1x16x128xf32, #tpu.memory_space<vmem>> -> memref<16x128xf32, #tpu.memory_space<vmem>>
        %dma_start3A_704 = arith.constant 0 : i32
        %dma_start3A_705 = tpu.memref_slice %arg2[%dma_start3A_704, %multiple_of3A_698] : memref<16x1000000xf32, #tpu.memory_space<hbm>> -> memref<16x128xf32, #tpu.memory_space<hbm>>
        %dma_start3A_706 = arith.constant 0 : i32
        %dma_start3A_707 = arith.constant 0 : i32
        %dma_start3A_708 = tpu.memref_slice %arg10[%rem3A_638, %dma_start3A_699, %dma_start3A_706, %dma_start3A_707] : memref<2x8x16x128xf32, #tpu.memory_space<vmem>> -> memref<1x1x16x128xf32, #tpu.memory_space<vmem>>
        %dma_start3A_709 = tpu.memref_squeeze %dma_start3A_708 : memref<1x1x16x128xf32, #tpu.memory_space<vmem>> -> memref<16x128xf32, #tpu.memory_space<vmem>>
        %dma_start3A_710 = arith.constant 0 : i32
        %dma_start3A_711 = tpu.memref_slice %arg2[%dma_start3A_710, %multiple_of3A_698] : memref<16x1000000xf32, #tpu.memory_space<hbm>> -> memref<16x128xf32, #tpu.memory_space<hbm>>
        tpu.enqueue_dma source(%dma_start3A_711 : memref<16x128xf32, #tpu.memory_space<hbm>>) target(%dma_start3A_709 : memref<16x128xf32, #tpu.memory_space<vmem>>) target_semaphore(%arg12 : memref<!tpu.dma_semaphore, #tpu.memory_space<semaphore_mem>>)
        %add3A_712 = arith.constant 1 : i32
        %add3A_713 = arith.addi %mul3A_682, %add3A_712 : i32
        %eq3A_714 = vector.broadcast %add3A_713 : i32 to vector<16xi32>
        %eq3A_715 = arith.cmpi eq, %iota3A, %eq3A_714 : vector<16xi32>
        %jit3A_716 = arith.constant 0 : i32
        %broadcast_in_dim3A_717 = vector.broadcast %jit3A_716 : i32 to vector<16xi32>
        %select_n3A_718 = arith.select %eq3A_715, %shift_left3A_678, %broadcast_in_dim3A_717 : vector<16xi1>, vector<16xi32>
        %reduce_max3A_719 = arith.constant true
        %reduce_max3A_720 = vector.broadcast %reduce_max3A_719 : i1 to vector<16xi1>
        %reduce_max3A_721 = arith.constant -2147483648 : i32
        %reduce_max3A_722 = vector.broadcast %reduce_max3A_721 : i32 to vector<16xi32>
        %reduce_max3A_723 = arith.xori %select_n3A_718, %reduce_max3A_722 : vector<16xi32>
        %reduce_max3A_724 = tpu.scan <max>, %reduce_max3A_723 masked %reduce_max3A_720 : vector<16xi32>, vector<16xi1> -> vector<16xi32>
        %reduce_max3A_725 = arith.xori %reduce_max3A_724, %reduce_max3A_722 : vector<16xi32>
        %reduce_max3A_726 = vector.extract %reduce_max3A_725[15] : i32 from vector<16xi32>
        %multiple_of3A_727 = tpu.assume_multiple %reduce_max3A_726, 128 : i32
        %dma_start3A_728 = arith.constant 1 : i32
        %dma_start3A_729 = arith.constant 0 : i32
        %dma_start3A_730 = arith.constant 0 : i32
        %dma_start3A_731 = tpu.memref_slice %arg10[%rem3A_638, %dma_start3A_728, %dma_start3A_729, %dma_start3A_730] : memref<2x8x16x128xf32, #tpu.memory_space<vmem>> -> memref<1x1x16x128xf32, #tpu.memory_space<vmem>>
        %dma_start3A_732 = tpu.memref_squeeze %dma_start3A_731 : memref<1x1x16x128xf32, #tpu.memory_space<vmem>> -> memref<16x128xf32, #tpu.memory_space<vmem>>
        %dma_start3A_733 = arith.constant 0 : i32
        %dma_start3A_734 = tpu.memref_slice %arg2[%dma_start3A_733, %multiple_of3A_727] : memref<16x1000000xf32, #tpu.memory_space<hbm>> -> memref<16x128xf32, #tpu.memory_space<hbm>>
        %dma_start3A_735 = arith.constant 0 : i32
        %dma_start3A_736 = arith.constant 0 : i32
        %dma_start3A_737 = tpu.memref_slice %arg10[%rem3A_638, %dma_start3A_728, %dma_start3A_735, %dma_start3A_736] : memref<2x8x16x128xf32, #tpu.memory_space<vmem>> -> memref<1x1x16x128xf32, #tpu.memory_space<vmem>>
        %dma_start3A_738 = tpu.memref_squeeze %dma_start3A_737 : memref<1x1x16x128xf32, #tpu.memory_space<vmem>> -> memref<16x128xf32, #tpu.memory_space<vmem>>
        %dma_start3A_739 = arith.constant 0 : i32
        %dma_start3A_740 = tpu.memref_slice %arg2[%dma_start3A_739, %multiple_of3A_727] : memref<16x1000000xf32, #tpu.memory_space<hbm>> -> memref<16x128xf32, #tpu.memory_space<hbm>>
        tpu.enqueue_dma source(%dma_start3A_740 : memref<16x128xf32, #tpu.memory_space<hbm>>) target(%dma_start3A_738 : memref<16x128xf32, #tpu.memory_space<vmem>>) target_semaphore(%arg12 : memref<!tpu.dma_semaphore, #tpu.memory_space<semaphore_mem>>)
        %add3A_741 = arith.constant 2 : i32
        %add3A_742 = arith.addi %mul3A_682, %add3A_741 : i32
        %eq3A_743 = vector.broadcast %add3A_742 : i32 to vector<16xi32>
        %eq3A_744 = arith.cmpi eq, %iota3A, %eq3A_743 : vector<16xi32>
        %jit3A_745 = arith.constant 0 : i32
        %broadcast_in_dim3A_746 = vector.broadcast %jit3A_745 : i32 to vector<16xi32>
        %select_n3A_747 = arith.select %eq3A_744, %shift_left3A_678, %broadcast_in_dim3A_746 : vector<16xi1>, vector<16xi32>
        %reduce_max3A_748 = arith.constant true
        %reduce_max3A_749 = vector.broadcast %reduce_max3A_748 : i1 to vector<16xi1>
        %reduce_max3A_750 = arith.constant -2147483648 : i32
        %reduce_max3A_751 = vector.broadcast %reduce_max3A_750 : i32 to vector<16xi32>
        %reduce_max3A_752 = arith.xori %select_n3A_747, %reduce_max3A_751 : vector<16xi32>
        %reduce_max3A_753 = tpu.scan <max>, %reduce_max3A_752 masked %reduce_max3A_749 : vector<16xi32>, vector<16xi1> -> vector<16xi32>
        %reduce_max3A_754 = arith.xori %reduce_max3A_753, %reduce_max3A_751 : vector<16xi32>
        %reduce_max3A_755 = vector.extract %reduce_max3A_754[15] : i32 from vector<16xi32>
        %multiple_of3A_756 = tpu.assume_multiple %reduce_max3A_755, 128 : i32
        %dma_start3A_757 = arith.constant 2 : i32
        %dma_start3A_758 = arith.constant 0 : i32
        %dma_start3A_759 = arith.constant 0 : i32
        %dma_start3A_760 = tpu.memref_slice %arg10[%rem3A_638, %dma_start3A_757, %dma_start3A_758, %dma_start3A_759] : memref<2x8x16x128xf32, #tpu.memory_space<vmem>> -> memref<1x1x16x128xf32, #tpu.memory_space<vmem>>
        %dma_start3A_761 = tpu.memref_squeeze %dma_start3A_760 : memref<1x1x16x128xf32, #tpu.memory_space<vmem>> -> memref<16x128xf32, #tpu.memory_space<vmem>>
        %dma_start3A_762 = arith.constant 0 : i32
        %dma_start3A_763 = tpu.memref_slice %arg2[%dma_start3A_762, %multiple_of3A_756] : memref<16x1000000xf32, #tpu.memory_space<hbm>> -> memref<16x128xf32, #tpu.memory_space<hbm>>
        %dma_start3A_764 = arith.constant 0 : i32
        %dma_start3A_765 = arith.constant 0 : i32
        %dma_start3A_766 = tpu.memref_slice %arg10[%rem3A_638, %dma_start3A_757, %dma_start3A_764, %dma_start3A_765] : memref<2x8x16x128xf32, #tpu.memory_space<vmem>> -> memref<1x1x16x128xf32, #tpu.memory_space<vmem>>
        %dma_start3A_767 = tpu.memref_squeeze %dma_start3A_766 : memref<1x1x16x128xf32, #tpu.memory_space<vmem>> -> memref<16x128xf32, #tpu.memory_space<vmem>>
        %dma_start3A_768 = arith.constant 0 : i32
        %dma_start3A_769 = tpu.memref_slice %arg2[%dma_start3A_768, %multiple_of3A_756] : memref<16x1000000xf32, #tpu.memory_space<hbm>> -> memref<16x128xf32, #tpu.memory_space<hbm>>
        tpu.enqueue_dma source(%dma_start3A_769 : memref<16x128xf32, #tpu.memory_space<hbm>>) target(%dma_start3A_767 : memref<16x128xf32, #tpu.memory_space<vmem>>) target_semaphore(%arg12 : memref<!tpu.dma_semaphore, #tpu.memory_space<semaphore_mem>>)
        %add3A_770 = arith.constant 3 : i32
        %add3A_771 = arith.addi %mul3A_682, %add3A_770 : i32
        %eq3A_772 = vector.broadcast %add3A_771 : i32 to vector<16xi32>
        %eq3A_773 = arith.cmpi eq, %iota3A, %eq3A_772 : vector<16xi32>
        %jit3A_774 = arith.constant 0 : i32
        %broadcast_in_dim3A_775 = vector.broadcast %jit3A_774 : i32 to vector<16xi32>
        %select_n3A_776 = arith.select %eq3A_773, %shift_left3A_678, %broadcast_in_dim3A_775 : vector<16xi1>, vector<16xi32>
        %reduce_max3A_777 = arith.constant true
        %reduce_max3A_778 = vector.broadcast %reduce_max3A_777 : i1 to vector<16xi1>
        %reduce_max3A_779 = arith.constant -2147483648 : i32
        %reduce_max3A_780 = vector.broadcast %reduce_max3A_779 : i32 to vector<16xi32>
        %reduce_max3A_781 = arith.xori %select_n3A_776, %reduce_max3A_780 : vector<16xi32>
        %reduce_max3A_782 = tpu.scan <max>, %reduce_max3A_781 masked %reduce_max3A_778 : vector<16xi32>, vector<16xi1> -> vector<16xi32>
        %reduce_max3A_783 = arith.xori %reduce_max3A_782, %reduce_max3A_780 : vector<16xi32>
        %reduce_max3A_784 = vector.extract %reduce_max3A_783[15] : i32 from vector<16xi32>
        %multiple_of3A_785 = tpu.assume_multiple %reduce_max3A_784, 128 : i32
        %dma_start3A_786 = arith.constant 3 : i32
        %dma_start3A_787 = arith.constant 0 : i32
        %dma_start3A_788 = arith.constant 0 : i32
        %dma_start3A_789 = tpu.memref_slice %arg10[%rem3A_638, %dma_start3A_786, %dma_start3A_787, %dma_start3A_788] : memref<2x8x16x128xf32, #tpu.memory_space<vmem>> -> memref<1x1x16x128xf32, #tpu.memory_space<vmem>>
        %dma_start3A_790 = tpu.memref_squeeze %dma_start3A_789 : memref<1x1x16x128xf32, #tpu.memory_space<vmem>> -> memref<16x128xf32, #tpu.memory_space<vmem>>
        %dma_start3A_791 = arith.constant 0 : i32
        %dma_start3A_792 = tpu.memref_slice %arg2[%dma_start3A_791, %multiple_of3A_785] : memref<16x1000000xf32, #tpu.memory_space<hbm>> -> memref<16x128xf32, #tpu.memory_space<hbm>>
        %dma_start3A_793 = arith.constant 0 : i32
        %dma_start3A_794 = arith.constant 0 : i32
        %dma_start3A_795 = tpu.memref_slice %arg10[%rem3A_638, %dma_start3A_786, %dma_start3A_793, %dma_start3A_794] : memref<2x8x16x128xf32, #tpu.memory_space<vmem>> -> memref<1x1x16x128xf32, #tpu.memory_space<vmem>>
        %dma_start3A_796 = tpu.memref_squeeze %dma_start3A_795 : memref<1x1x16x128xf32, #tpu.memory_space<vmem>> -> memref<16x128xf32, #tpu.memory_space<vmem>>
        %dma_start3A_797 = arith.constant 0 : i32
        %dma_start3A_798 = tpu.memref_slice %arg2[%dma_start3A_797, %multiple_of3A_785] : memref<16x1000000xf32, #tpu.memory_space<hbm>> -> memref<16x128xf32, #tpu.memory_space<hbm>>
        tpu.enqueue_dma source(%dma_start3A_798 : memref<16x128xf32, #tpu.memory_space<hbm>>) target(%dma_start3A_796 : memref<16x128xf32, #tpu.memory_space<vmem>>) target_semaphore(%arg12 : memref<!tpu.dma_semaphore, #tpu.memory_space<semaphore_mem>>)
        %add3A_799 = arith.constant 4 : i32
        %add3A_800 = arith.addi %mul3A_682, %add3A_799 : i32
        %eq3A_801 = vector.broadcast %add3A_800 : i32 to vector<16xi32>
        %eq3A_802 = arith.cmpi eq, %iota3A, %eq3A_801 : vector<16xi32>
        %jit3A_803 = arith.constant 0 : i32
        %broadcast_in_dim3A_804 = vector.broadcast %jit3A_803 : i32 to vector<16xi32>
        %select_n3A_805 = arith.select %eq3A_802, %shift_left3A_678, %broadcast_in_dim3A_804 : vector<16xi1>, vector<16xi32>
        %reduce_max3A_806 = arith.constant true
        %reduce_max3A_807 = vector.broadcast %reduce_max3A_806 : i1 to vector<16xi1>
        %reduce_max3A_808 = arith.constant -2147483648 : i32
        %reduce_max3A_809 = vector.broadcast %reduce_max3A_808 : i32 to vector<16xi32>
        %reduce_max3A_810 = arith.xori %select_n3A_805, %reduce_max3A_809 : vector<16xi32>
        %reduce_max3A_811 = tpu.scan <max>, %reduce_max3A_810 masked %reduce_max3A_807 : vector<16xi32>, vector<16xi1> -> vector<16xi32>
        %reduce_max3A_812 = arith.xori %reduce_max3A_811, %reduce_max3A_809 : vector<16xi32>
        %reduce_max3A_813 = vector.extract %reduce_max3A_812[15] : i32 from vector<16xi32>
        %multiple_of3A_814 = tpu.assume_multiple %reduce_max3A_813, 128 : i32
        %dma_start3A_815 = arith.constant 4 : i32
        %dma_start3A_816 = arith.constant 0 : i32
        %dma_start3A_817 = arith.constant 0 : i32
        %dma_start3A_818 = tpu.memref_slice %arg10[%rem3A_638, %dma_start3A_815, %dma_start3A_816, %dma_start3A_817] : memref<2x8x16x128xf32, #tpu.memory_space<vmem>> -> memref<1x1x16x128xf32, #tpu.memory_space<vmem>>
        %dma_start3A_819 = tpu.memref_squeeze %dma_start3A_818 : memref<1x1x16x128xf32, #tpu.memory_space<vmem>> -> memref<16x128xf32, #tpu.memory_space<vmem>>
        %dma_start3A_820 = arith.constant 0 : i32
        %dma_start3A_821 = tpu.memref_slice %arg2[%dma_start3A_820, %multiple_of3A_814] : memref<16x1000000xf32, #tpu.memory_space<hbm>> -> memref<16x128xf32, #tpu.memory_space<hbm>>
        %dma_start3A_822 = arith.constant 0 : i32
        %dma_start3A_823 = arith.constant 0 : i32
        %dma_start3A_824 = tpu.memref_slice %arg10[%rem3A_638, %dma_start3A_815, %dma_start3A_822, %dma_start3A_823] : memref<2x8x16x128xf32, #tpu.memory_space<vmem>> -> memref<1x1x16x128xf32, #tpu.memory_space<vmem>>
        %dma_start3A_825 = tpu.memref_squeeze %dma_start3A_824 : memref<1x1x16x128xf32, #tpu.memory_space<vmem>> -> memref<16x128xf32, #tpu.memory_space<vmem>>
        %dma_start3A_826 = arith.constant 0 : i32
        %dma_start3A_827 = tpu.memref_slice %arg2[%dma_start3A_826, %multiple_of3A_814] : memref<16x1000000xf32, #tpu.memory_space<hbm>> -> memref<16x128xf32, #tpu.memory_space<hbm>>
        tpu.enqueue_dma source(%dma_start3A_827 : memref<16x128xf32, #tpu.memory_space<hbm>>) target(%dma_start3A_825 : memref<16x128xf32, #tpu.memory_space<vmem>>) target_semaphore(%arg12 : memref<!tpu.dma_semaphore, #tpu.memory_space<semaphore_mem>>)
        %add3A_828 = arith.constant 5 : i32
        %add3A_829 = arith.addi %mul3A_682, %add3A_828 : i32
        %eq3A_830 = vector.broadcast %add3A_829 : i32 to vector<16xi32>
        %eq3A_831 = arith.cmpi eq, %iota3A, %eq3A_830 : vector<16xi32>
        %jit3A_832 = arith.constant 0 : i32
        %broadcast_in_dim3A_833 = vector.broadcast %jit3A_832 : i32 to vector<16xi32>
        %select_n3A_834 = arith.select %eq3A_831, %shift_left3A_678, %broadcast_in_dim3A_833 : vector<16xi1>, vector<16xi32>
        %reduce_max3A_835 = arith.constant true
        %reduce_max3A_836 = vector.broadcast %reduce_max3A_835 : i1 to vector<16xi1>
        %reduce_max3A_837 = arith.constant -2147483648 : i32
        %reduce_max3A_838 = vector.broadcast %reduce_max3A_837 : i32 to vector<16xi32>
        %reduce_max3A_839 = arith.xori %select_n3A_834, %reduce_max3A_838 : vector<16xi32>
        %reduce_max3A_840 = tpu.scan <max>, %reduce_max3A_839 masked %reduce_max3A_836 : vector<16xi32>, vector<16xi1> -> vector<16xi32>
        %reduce_max3A_841 = arith.xori %reduce_max3A_840, %reduce_max3A_838 : vector<16xi32>
        %reduce_max3A_842 = vector.extract %reduce_max3A_841[15] : i32 from vector<16xi32>
        %multiple_of3A_843 = tpu.assume_multiple %reduce_max3A_842, 128 : i32
        %dma_start3A_844 = arith.constant 5 : i32
        %dma_start3A_845 = arith.constant 0 : i32
        %dma_start3A_846 = arith.constant 0 : i32
        %dma_start3A_847 = tpu.memref_slice %arg10[%rem3A_638, %dma_start3A_844, %dma_start3A_845, %dma_start3A_846] : memref<2x8x16x128xf32, #tpu.memory_space<vmem>> -> memref<1x1x16x128xf32, #tpu.memory_space<vmem>>
        %dma_start3A_848 = tpu.memref_squeeze %dma_start3A_847 : memref<1x1x16x128xf32, #tpu.memory_space<vmem>> -> memref<16x128xf32, #tpu.memory_space<vmem>>
        %dma_start3A_849 = arith.constant 0 : i32
        %dma_start3A_850 = tpu.memref_slice %arg2[%dma_start3A_849, %multiple_of3A_843] : memref<16x1000000xf32, #tpu.memory_space<hbm>> -> memref<16x128xf32, #tpu.memory_space<hbm>>
        %dma_start3A_851 = arith.constant 0 : i32
        %dma_start3A_852 = arith.constant 0 : i32
        %dma_start3A_853 = tpu.memref_slice %arg10[%rem3A_638, %dma_start3A_844, %dma_start3A_851, %dma_start3A_852] : memref<2x8x16x128xf32, #tpu.memory_space<vmem>> -> memref<1x1x16x128xf32, #tpu.memory_space<vmem>>
        %dma_start3A_854 = tpu.memref_squeeze %dma_start3A_853 : memref<1x1x16x128xf32, #tpu.memory_space<vmem>> -> memref<16x128xf32, #tpu.memory_space<vmem>>
        %dma_start3A_855 = arith.constant 0 : i32
        %dma_start3A_856 = tpu.memref_slice %arg2[%dma_start3A_855, %multiple_of3A_843] : memref<16x1000000xf32, #tpu.memory_space<hbm>> -> memref<16x128xf32, #tpu.memory_space<hbm>>
        tpu.enqueue_dma source(%dma_start3A_856 : memref<16x128xf32, #tpu.memory_space<hbm>>) target(%dma_start3A_854 : memref<16x128xf32, #tpu.memory_space<vmem>>) target_semaphore(%arg12 : memref<!tpu.dma_semaphore, #tpu.memory_space<semaphore_mem>>)
        %add3A_857 = arith.constant 6 : i32
        %add3A_858 = arith.addi %mul3A_682, %add3A_857 : i32
        %eq3A_859 = vector.broadcast %add3A_858 : i32 to vector<16xi32>
        %eq3A_860 = arith.cmpi eq, %iota3A, %eq3A_859 : vector<16xi32>
        %jit3A_861 = arith.constant 0 : i32
        %broadcast_in_dim3A_862 = vector.broadcast %jit3A_861 : i32 to vector<16xi32>
        %select_n3A_863 = arith.select %eq3A_860, %shift_left3A_678, %broadcast_in_dim3A_862 : vector<16xi1>, vector<16xi32>
        %reduce_max3A_864 = arith.constant true
        %reduce_max3A_865 = vector.broadcast %reduce_max3A_864 : i1 to vector<16xi1>
        %reduce_max3A_866 = arith.constant -2147483648 : i32
        %reduce_max3A_867 = vector.broadcast %reduce_max3A_866 : i32 to vector<16xi32>
        %reduce_max3A_868 = arith.xori %select_n3A_863, %reduce_max3A_867 : vector<16xi32>
        %reduce_max3A_869 = tpu.scan <max>, %reduce_max3A_868 masked %reduce_max3A_865 : vector<16xi32>, vector<16xi1> -> vector<16xi32>
        %reduce_max3A_870 = arith.xori %reduce_max3A_869, %reduce_max3A_867 : vector<16xi32>
        %reduce_max3A_871 = vector.extract %reduce_max3A_870[15] : i32 from vector<16xi32>
        %multiple_of3A_872 = tpu.assume_multiple %reduce_max3A_871, 128 : i32
        %dma_start3A_873 = arith.constant 6 : i32
        %dma_start3A_874 = arith.constant 0 : i32
        %dma_start3A_875 = arith.constant 0 : i32
        %dma_start3A_876 = tpu.memref_slice %arg10[%rem3A_638, %dma_start3A_873, %dma_start3A_874, %dma_start3A_875] : memref<2x8x16x128xf32, #tpu.memory_space<vmem>> -> memref<1x1x16x128xf32, #tpu.memory_space<vmem>>
        %dma_start3A_877 = tpu.memref_squeeze %dma_start3A_876 : memref<1x1x16x128xf32, #tpu.memory_space<vmem>> -> memref<16x128xf32, #tpu.memory_space<vmem>>
        %dma_start3A_878 = arith.constant 0 : i32
        %dma_start3A_879 = tpu.memref_slice %arg2[%dma_start3A_878, %multiple_of3A_872] : memref<16x1000000xf32, #tpu.memory_space<hbm>> -> memref<16x128xf32, #tpu.memory_space<hbm>>
        %dma_start3A_880 = arith.constant 0 : i32
        %dma_start3A_881 = arith.constant 0 : i32
        %dma_start3A_882 = tpu.memref_slice %arg10[%rem3A_638, %dma_start3A_873, %dma_start3A_880, %dma_start3A_881] : memref<2x8x16x128xf32, #tpu.memory_space<vmem>> -> memref<1x1x16x128xf32, #tpu.memory_space<vmem>>
        %dma_start3A_883 = tpu.memref_squeeze %dma_start3A_882 : memref<1x1x16x128xf32, #tpu.memory_space<vmem>> -> memref<16x128xf32, #tpu.memory_space<vmem>>
        %dma_start3A_884 = arith.constant 0 : i32
        %dma_start3A_885 = tpu.memref_slice %arg2[%dma_start3A_884, %multiple_of3A_872] : memref<16x1000000xf32, #tpu.memory_space<hbm>> -> memref<16x128xf32, #tpu.memory_space<hbm>>
        tpu.enqueue_dma source(%dma_start3A_885 : memref<16x128xf32, #tpu.memory_space<hbm>>) target(%dma_start3A_883 : memref<16x128xf32, #tpu.memory_space<vmem>>) target_semaphore(%arg12 : memref<!tpu.dma_semaphore, #tpu.memory_space<semaphore_mem>>)
        %add3A_886 = arith.constant 7 : i32
        %add3A_887 = arith.addi %mul3A_682, %add3A_886 : i32
        %eq3A_888 = vector.broadcast %add3A_887 : i32 to vector<16xi32>
        %eq3A_889 = arith.cmpi eq, %iota3A, %eq3A_888 : vector<16xi32>
        %jit3A_890 = arith.constant 0 : i32
        %broadcast_in_dim3A_891 = vector.broadcast %jit3A_890 : i32 to vector<16xi32>
        %select_n3A_892 = arith.select %eq3A_889, %shift_left3A_678, %broadcast_in_dim3A_891 : vector<16xi1>, vector<16xi32>
        %reduce_max3A_893 = arith.constant true
        %reduce_max3A_894 = vector.broadcast %reduce_max3A_893 : i1 to vector<16xi1>
        %reduce_max3A_895 = arith.constant -2147483648 : i32
        %reduce_max3A_896 = vector.broadcast %reduce_max3A_895 : i32 to vector<16xi32>
        %reduce_max3A_897 = arith.xori %select_n3A_892, %reduce_max3A_896 : vector<16xi32>
        %reduce_max3A_898 = tpu.scan <max>, %reduce_max3A_897 masked %reduce_max3A_894 : vector<16xi32>, vector<16xi1> -> vector<16xi32>
        %reduce_max3A_899 = arith.xori %reduce_max3A_898, %reduce_max3A_896 : vector<16xi32>
        %reduce_max3A_900 = vector.extract %reduce_max3A_899[15] : i32 from vector<16xi32>
        %multiple_of3A_901 = tpu.assume_multiple %reduce_max3A_900, 128 : i32
        %dma_start3A_902 = arith.constant 7 : i32
        %dma_start3A_903 = arith.constant 0 : i32
        %dma_start3A_904 = arith.constant 0 : i32
        %dma_start3A_905 = tpu.memref_slice %arg10[%rem3A_638, %dma_start3A_902, %dma_start3A_903, %dma_start3A_904] : memref<2x8x16x128xf32, #tpu.memory_space<vmem>> -> memref<1x1x16x128xf32, #tpu.memory_space<vmem>>
        %dma_start3A_906 = tpu.memref_squeeze %dma_start3A_905 : memref<1x1x16x128xf32, #tpu.memory_space<vmem>> -> memref<16x128xf32, #tpu.memory_space<vmem>>
        %dma_start3A_907 = arith.constant 0 : i32
        %dma_start3A_908 = tpu.memref_slice %arg2[%dma_start3A_907, %multiple_of3A_901] : memref<16x1000000xf32, #tpu.memory_space<hbm>> -> memref<16x128xf32, #tpu.memory_space<hbm>>
        %dma_start3A_909 = arith.constant 0 : i32
        %dma_start3A_910 = arith.constant 0 : i32
        %dma_start3A_911 = tpu.memref_slice %arg10[%rem3A_638, %dma_start3A_902, %dma_start3A_909, %dma_start3A_910] : memref<2x8x16x128xf32, #tpu.memory_space<vmem>> -> memref<1x1x16x128xf32, #tpu.memory_space<vmem>>
        %dma_start3A_912 = tpu.memref_squeeze %dma_start3A_911 : memref<1x1x16x128xf32, #tpu.memory_space<vmem>> -> memref<16x128xf32, #tpu.memory_space<vmem>>
        %dma_start3A_913 = arith.constant 0 : i32
        %dma_start3A_914 = tpu.memref_slice %arg2[%dma_start3A_913, %multiple_of3A_901] : memref<16x1000000xf32, #tpu.memory_space<hbm>> -> memref<16x128xf32, #tpu.memory_space<hbm>>
        tpu.enqueue_dma source(%dma_start3A_914 : memref<16x128xf32, #tpu.memory_space<hbm>>) target(%dma_start3A_912 : memref<16x128xf32, #tpu.memory_space<vmem>>) target_semaphore(%arg12 : memref<!tpu.dma_semaphore, #tpu.memory_space<semaphore_mem>>)
      } else {
      }
      %rem3A_263 = arith.constant 2 : i32
      %rem3A_264 = arith.remsi %scan3A_257, %rem3A_263 : i32
      %dma_wait3A = arith.constant 0 : i32
      %dma_wait3A_265 = arith.constant 0 : i32
      %dma_wait3A_266 = arith.constant 0 : i32
      %dma_wait3A_267 = tpu.memref_slice %arg10[%rem3A_264, %dma_wait3A, %dma_wait3A_265, %dma_wait3A_266] : memref<2x8x16x128xf32, #tpu.memory_space<vmem>> -> memref<1x1x16x128xf32, #tpu.memory_space<vmem>>
      %dma_wait3A_268 = tpu.memref_squeeze %dma_wait3A_267 : memref<1x1x16x128xf32, #tpu.memory_space<vmem>> -> memref<16x128xf32, #tpu.memory_space<vmem>>
      %dma_wait3A_269 = arith.constant 0 : i32
      %dma_wait3A_270 = arith.constant 0 : i32
      %dma_wait3A_271 = tpu.memref_slice %arg2[%dma_wait3A_269, %dma_wait3A_270] : memref<16x1000000xf32, #tpu.memory_space<hbm>> -> memref<16x128xf32, #tpu.memory_space<hbm>>
      %dma_wait3A_272 = arith.constant 0 : i32
      %dma_wait3A_273 = arith.constant 0 : i32
      %dma_wait3A_274 = tpu.memref_slice %arg10[%rem3A_264, %dma_wait3A, %dma_wait3A_272, %dma_wait3A_273] : memref<2x8x16x128xf32, #tpu.memory_space<vmem>> -> memref<1x1x16x128xf32, #tpu.memory_space<vmem>>
      %dma_wait3A_275 = tpu.memref_squeeze %dma_wait3A_274 : memref<1x1x16x128xf32, #tpu.memory_space<vmem>> -> memref<16x128xf32, #tpu.memory_space<vmem>>
      %dma_wait3A_276 = arith.constant 0 : i32
      %dma_wait3A_277 = arith.constant 0 : i32
      %dma_wait3A_278 = tpu.memref_slice %arg2[%dma_wait3A_276, %dma_wait3A_277] : memref<16x1000000xf32, #tpu.memory_space<hbm>> -> memref<16x128xf32, #tpu.memory_space<hbm>>
      tpu.wait_dma2 semaphore(%arg12 : memref<!tpu.dma_semaphore, #tpu.memory_space<semaphore_mem>>) src(%dma_wait3A_278 : memref<16x128xf32, #tpu.memory_space<hbm>>) dst(%dma_wait3A_275 : memref<16x128xf32, #tpu.memory_space<vmem>>)
      %dma_wait3A_279 = arith.constant 1 : i32
      %dma_wait3A_280 = arith.constant 0 : i32
      %dma_wait3A_281 = arith.constant 0 : i32
      %dma_wait3A_282 = tpu.memref_slice %arg10[%rem3A_264, %dma_wait3A_279, %dma_wait3A_280, %dma_wait3A_281] : memref<2x8x16x128xf32, #tpu.memory_space<vmem>> -> memref<1x1x16x128xf32, #tpu.memory_space<vmem>>
      %dma_wait3A_283 = tpu.memref_squeeze %dma_wait3A_282 : memref<1x1x16x128xf32, #tpu.memory_space<vmem>> -> memref<16x128xf32, #tpu.memory_space<vmem>>
      %dma_wait3A_284 = arith.constant 0 : i32
      %dma_wait3A_285 = arith.constant 0 : i32
      %dma_wait3A_286 = tpu.memref_slice %arg2[%dma_wait3A_284, %dma_wait3A_285] : memref<16x1000000xf32, #tpu.memory_space<hbm>> -> memref<16x128xf32, #tpu.memory_space<hbm>>
      %dma_wait3A_287 = arith.constant 0 : i32
      %dma_wait3A_288 = arith.constant 0 : i32
      %dma_wait3A_289 = tpu.memref_slice %arg10[%rem3A_264, %dma_wait3A_279, %dma_wait3A_287, %dma_wait3A_288] : memref<2x8x16x128xf32, #tpu.memory_space<vmem>> -> memref<1x1x16x128xf32, #tpu.memory_space<vmem>>
      %dma_wait3A_290 = tpu.memref_squeeze %dma_wait3A_289 : memref<1x1x16x128xf32, #tpu.memory_space<vmem>> -> memref<16x128xf32, #tpu.memory_space<vmem>>
      %dma_wait3A_291 = arith.constant 0 : i32
      %dma_wait3A_292 = arith.constant 0 : i32
      %dma_wait3A_293 = tpu.memref_slice %arg2[%dma_wait3A_291, %dma_wait3A_292] : memref<16x1000000xf32, #tpu.memory_space<hbm>> -> memref<16x128xf32, #tpu.memory_space<hbm>>
      tpu.wait_dma2 semaphore(%arg12 : memref<!tpu.dma_semaphore, #tpu.memory_space<semaphore_mem>>) src(%dma_wait3A_293 : memref<16x128xf32, #tpu.memory_space<hbm>>) dst(%dma_wait3A_290 : memref<16x128xf32, #tpu.memory_space<vmem>>)
      %dma_wait3A_294 = arith.constant 2 : i32
      %dma_wait3A_295 = arith.constant 0 : i32
      %dma_wait3A_296 = arith.constant 0 : i32
      %dma_wait3A_297 = tpu.memref_slice %arg10[%rem3A_264, %dma_wait3A_294, %dma_wait3A_295, %dma_wait3A_296] : memref<2x8x16x128xf32, #tpu.memory_space<vmem>> -> memref<1x1x16x128xf32, #tpu.memory_space<vmem>>
      %dma_wait3A_298 = tpu.memref_squeeze %dma_wait3A_297 : memref<1x1x16x128xf32, #tpu.memory_space<vmem>> -> memref<16x128xf32, #tpu.memory_space<vmem>>
      %dma_wait3A_299 = arith.constant 0 : i32
      %dma_wait3A_300 = arith.constant 0 : i32
      %dma_wait3A_301 = tpu.memref_slice %arg2[%dma_wait3A_299, %dma_wait3A_300] : memref<16x1000000xf32, #tpu.memory_space<hbm>> -> memref<16x128xf32, #tpu.memory_space<hbm>>
      %dma_wait3A_302 = arith.constant 0 : i32
      %dma_wait3A_303 = arith.constant 0 : i32
      %dma_wait3A_304 = tpu.memref_slice %arg10[%rem3A_264, %dma_wait3A_294, %dma_wait3A_302, %dma_wait3A_303] : memref<2x8x16x128xf32, #tpu.memory_space<vmem>> -> memref<1x1x16x128xf32, #tpu.memory_space<vmem>>
      %dma_wait3A_305 = tpu.memref_squeeze %dma_wait3A_304 : memref<1x1x16x128xf32, #tpu.memory_space<vmem>> -> memref<16x128xf32, #tpu.memory_space<vmem>>
      %dma_wait3A_306 = arith.constant 0 : i32
      %dma_wait3A_307 = arith.constant 0 : i32
      %dma_wait3A_308 = tpu.memref_slice %arg2[%dma_wait3A_306, %dma_wait3A_307] : memref<16x1000000xf32, #tpu.memory_space<hbm>> -> memref<16x128xf32, #tpu.memory_space<hbm>>
      tpu.wait_dma2 semaphore(%arg12 : memref<!tpu.dma_semaphore, #tpu.memory_space<semaphore_mem>>) src(%dma_wait3A_308 : memref<16x128xf32, #tpu.memory_space<hbm>>) dst(%dma_wait3A_305 : memref<16x128xf32, #tpu.memory_space<vmem>>)
      %dma_wait3A_309 = arith.constant 3 : i32
      %dma_wait3A_310 = arith.constant 0 : i32
      %dma_wait3A_311 = arith.constant 0 : i32
      %dma_wait3A_312 = tpu.memref_slice %arg10[%rem3A_264, %dma_wait3A_309, %dma_wait3A_310, %dma_wait3A_311] : memref<2x8x16x128xf32, #tpu.memory_space<vmem>> -> memref<1x1x16x128xf32, #tpu.memory_space<vmem>>
      %dma_wait3A_313 = tpu.memref_squeeze %dma_wait3A_312 : memref<1x1x16x128xf32, #tpu.memory_space<vmem>> -> memref<16x128xf32, #tpu.memory_space<vmem>>
      %dma_wait3A_314 = arith.constant 0 : i32
      %dma_wait3A_315 = arith.constant 0 : i32
      %dma_wait3A_316 = tpu.memref_slice %arg2[%dma_wait3A_314, %dma_wait3A_315] : memref<16x1000000xf32, #tpu.memory_space<hbm>> -> memref<16x128xf32, #tpu.memory_space<hbm>>
      %dma_wait3A_317 = arith.constant 0 : i32
      %dma_wait3A_318 = arith.constant 0 : i32
      %dma_wait3A_319 = tpu.memref_slice %arg10[%rem3A_264, %dma_wait3A_309, %dma_wait3A_317, %dma_wait3A_318] : memref<2x8x16x128xf32, #tpu.memory_space<vmem>> -> memref<1x1x16x128xf32, #tpu.memory_space<vmem>>
      %dma_wait3A_320 = tpu.memref_squeeze %dma_wait3A_319 : memref<1x1x16x128xf32, #tpu.memory_space<vmem>> -> memref<16x128xf32, #tpu.memory_space<vmem>>
      %dma_wait3A_321 = arith.constant 0 : i32
      %dma_wait3A_322 = arith.constant 0 : i32
      %dma_wait3A_323 = tpu.memref_slice %arg2[%dma_wait3A_321, %dma_wait3A_322] : memref<16x1000000xf32, #tpu.memory_space<hbm>> -> memref<16x128xf32, #tpu.memory_space<hbm>>
      tpu.wait_dma2 semaphore(%arg12 : memref<!tpu.dma_semaphore, #tpu.memory_space<semaphore_mem>>) src(%dma_wait3A_323 : memref<16x128xf32, #tpu.memory_space<hbm>>) dst(%dma_wait3A_320 : memref<16x128xf32, #tpu.memory_space<vmem>>)
      %dma_wait3A_324 = arith.constant 4 : i32
      %dma_wait3A_325 = arith.constant 0 : i32
      %dma_wait3A_326 = arith.constant 0 : i32
      %dma_wait3A_327 = tpu.memref_slice %arg10[%rem3A_264, %dma_wait3A_324, %dma_wait3A_325, %dma_wait3A_326] : memref<2x8x16x128xf32, #tpu.memory_space<vmem>> -> memref<1x1x16x128xf32, #tpu.memory_space<vmem>>
      %dma_wait3A_328 = tpu.memref_squeeze %dma_wait3A_327 : memref<1x1x16x128xf32, #tpu.memory_space<vmem>> -> memref<16x128xf32, #tpu.memory_space<vmem>>
      %dma_wait3A_329 = arith.constant 0 : i32
      %dma_wait3A_330 = arith.constant 0 : i32
      %dma_wait3A_331 = tpu.memref_slice %arg2[%dma_wait3A_329, %dma_wait3A_330] : memref<16x1000000xf32, #tpu.memory_space<hbm>> -> memref<16x128xf32, #tpu.memory_space<hbm>>
      %dma_wait3A_332 = arith.constant 0 : i32
      %dma_wait3A_333 = arith.constant 0 : i32
      %dma_wait3A_334 = tpu.memref_slice %arg10[%rem3A_264, %dma_wait3A_324, %dma_wait3A_332, %dma_wait3A_333] : memref<2x8x16x128xf32, #tpu.memory_space<vmem>> -> memref<1x1x16x128xf32, #tpu.memory_space<vmem>>
      %dma_wait3A_335 = tpu.memref_squeeze %dma_wait3A_334 : memref<1x1x16x128xf32, #tpu.memory_space<vmem>> -> memref<16x128xf32, #tpu.memory_space<vmem>>
      %dma_wait3A_336 = arith.constant 0 : i32
      %dma_wait3A_337 = arith.constant 0 : i32
      %dma_wait3A_338 = tpu.memref_slice %arg2[%dma_wait3A_336, %dma_wait3A_337] : memref<16x1000000xf32, #tpu.memory_space<hbm>> -> memref<16x128xf32, #tpu.memory_space<hbm>>
      tpu.wait_dma2 semaphore(%arg12 : memref<!tpu.dma_semaphore, #tpu.memory_space<semaphore_mem>>) src(%dma_wait3A_338 : memref<16x128xf32, #tpu.memory_space<hbm>>) dst(%dma_wait3A_335 : memref<16x128xf32, #tpu.memory_space<vmem>>)
      %dma_wait3A_339 = arith.constant 5 : i32
      %dma_wait3A_340 = arith.constant 0 : i32
      %dma_wait3A_341 = arith.constant 0 : i32
      %dma_wait3A_342 = tpu.memref_slice %arg10[%rem3A_264, %dma_wait3A_339, %dma_wait3A_340, %dma_wait3A_341] : memref<2x8x16x128xf32, #tpu.memory_space<vmem>> -> memref<1x1x16x128xf32, #tpu.memory_space<vmem>>
      %dma_wait3A_343 = tpu.memref_squeeze %dma_wait3A_342 : memref<1x1x16x128xf32, #tpu.memory_space<vmem>> -> memref<16x128xf32, #tpu.memory_space<vmem>>
      %dma_wait3A_344 = arith.constant 0 : i32
      %dma_wait3A_345 = arith.constant 0 : i32
      %dma_wait3A_346 = tpu.memref_slice %arg2[%dma_wait3A_344, %dma_wait3A_345] : memref<16x1000000xf32, #tpu.memory_space<hbm>> -> memref<16x128xf32, #tpu.memory_space<hbm>>
      %dma_wait3A_347 = arith.constant 0 : i32
      %dma_wait3A_348 = arith.constant 0 : i32
      %dma_wait3A_349 = tpu.memref_slice %arg10[%rem3A_264, %dma_wait3A_339, %dma_wait3A_347, %dma_wait3A_348] : memref<2x8x16x128xf32, #tpu.memory_space<vmem>> -> memref<1x1x16x128xf32, #tpu.memory_space<vmem>>
      %dma_wait3A_350 = tpu.memref_squeeze %dma_wait3A_349 : memref<1x1x16x128xf32, #tpu.memory_space<vmem>> -> memref<16x128xf32, #tpu.memory_space<vmem>>
      %dma_wait3A_351 = arith.constant 0 : i32
      %dma_wait3A_352 = arith.constant 0 : i32
      %dma_wait3A_353 = tpu.memref_slice %arg2[%dma_wait3A_351, %dma_wait3A_352] : memref<16x1000000xf32, #tpu.memory_space<hbm>> -> memref<16x128xf32, #tpu.memory_space<hbm>>
      tpu.wait_dma2 semaphore(%arg12 : memref<!tpu.dma_semaphore, #tpu.memory_space<semaphore_mem>>) src(%dma_wait3A_353 : memref<16x128xf32, #tpu.memory_space<hbm>>) dst(%dma_wait3A_350 : memref<16x128xf32, #tpu.memory_space<vmem>>)
      %dma_wait3A_354 = arith.constant 6 : i32
      %dma_wait3A_355 = arith.constant 0 : i32
      %dma_wait3A_356 = arith.constant 0 : i32
      %dma_wait3A_357 = tpu.memref_slice %arg10[%rem3A_264, %dma_wait3A_354, %dma_wait3A_355, %dma_wait3A_356] : memref<2x8x16x128xf32, #tpu.memory_space<vmem>> -> memref<1x1x16x128xf32, #tpu.memory_space<vmem>>
      %dma_wait3A_358 = tpu.memref_squeeze %dma_wait3A_357 : memref<1x1x16x128xf32, #tpu.memory_space<vmem>> -> memref<16x128xf32, #tpu.memory_space<vmem>>
      %dma_wait3A_359 = arith.constant 0 : i32
      %dma_wait3A_360 = arith.constant 0 : i32
      %dma_wait3A_361 = tpu.memref_slice %arg2[%dma_wait3A_359, %dma_wait3A_360] : memref<16x1000000xf32, #tpu.memory_space<hbm>> -> memref<16x128xf32, #tpu.memory_space<hbm>>
      %dma_wait3A_362 = arith.constant 0 : i32
      %dma_wait3A_363 = arith.constant 0 : i32
      %dma_wait3A_364 = tpu.memref_slice %arg10[%rem3A_264, %dma_wait3A_354, %dma_wait3A_362, %dma_wait3A_363] : memref<2x8x16x128xf32, #tpu.memory_space<vmem>> -> memref<1x1x16x128xf32, #tpu.memory_space<vmem>>
      %dma_wait3A_365 = tpu.memref_squeeze %dma_wait3A_364 : memref<1x1x16x128xf32, #tpu.memory_space<vmem>> -> memref<16x128xf32, #tpu.memory_space<vmem>>
      %dma_wait3A_366 = arith.constant 0 : i32
      %dma_wait3A_367 = arith.constant 0 : i32
      %dma_wait3A_368 = tpu.memref_slice %arg2[%dma_wait3A_366, %dma_wait3A_367] : memref<16x1000000xf32, #tpu.memory_space<hbm>> -> memref<16x128xf32, #tpu.memory_space<hbm>>
      tpu.wait_dma2 semaphore(%arg12 : memref<!tpu.dma_semaphore, #tpu.memory_space<semaphore_mem>>) src(%dma_wait3A_368 : memref<16x128xf32, #tpu.memory_space<hbm>>) dst(%dma_wait3A_365 : memref<16x128xf32, #tpu.memory_space<vmem>>)
      %dma_wait3A_369 = arith.constant 7 : i32
      %dma_wait3A_370 = arith.constant 0 : i32
      %dma_wait3A_371 = arith.constant 0 : i32
      %dma_wait3A_372 = tpu.memref_slice %arg10[%rem3A_264, %dma_wait3A_369, %dma_wait3A_370, %dma_wait3A_371] : memref<2x8x16x128xf32, #tpu.memory_space<vmem>> -> memref<1x1x16x128xf32, #tpu.memory_space<vmem>>
      %dma_wait3A_373 = tpu.memref_squeeze %dma_wait3A_372 : memref<1x1x16x128xf32, #tpu.memory_space<vmem>> -> memref<16x128xf32, #tpu.memory_space<vmem>>
      %dma_wait3A_374 = arith.constant 0 : i32
      %dma_wait3A_375 = arith.constant 0 : i32
      %dma_wait3A_376 = tpu.memref_slice %arg2[%dma_wait3A_374, %dma_wait3A_375] : memref<16x1000000xf32, #tpu.memory_space<hbm>> -> memref<16x128xf32, #tpu.memory_space<hbm>>
      %dma_wait3A_377 = arith.constant 0 : i32
      %dma_wait3A_378 = arith.constant 0 : i32
      %dma_wait3A_379 = tpu.memref_slice %arg10[%rem3A_264, %dma_wait3A_369, %dma_wait3A_377, %dma_wait3A_378] : memref<2x8x16x128xf32, #tpu.memory_space<vmem>> -> memref<1x1x16x128xf32, #tpu.memory_space<vmem>>
      %dma_wait3A_380 = tpu.memref_squeeze %dma_wait3A_379 : memref<1x1x16x128xf32, #tpu.memory_space<vmem>> -> memref<16x128xf32, #tpu.memory_space<vmem>>
      %dma_wait3A_381 = arith.constant 0 : i32
      %dma_wait3A_382 = arith.constant 0 : i32
      %dma_wait3A_383 = tpu.memref_slice %arg2[%dma_wait3A_381, %dma_wait3A_382] : memref<16x1000000xf32, #tpu.memory_space<hbm>> -> memref<16x128xf32, #tpu.memory_space<hbm>>
      tpu.wait_dma2 semaphore(%arg12 : memref<!tpu.dma_semaphore, #tpu.memory_space<semaphore_mem>>) src(%dma_wait3A_383 : memref<16x128xf32, #tpu.memory_space<hbm>>) dst(%dma_wait3A_380 : memref<16x128xf32, #tpu.memory_space<vmem>>)
      %jit3A_384 = arith.constant 2 : i32
      %div3A = arith.divsi %scan3A_257, %jit3A_384 : i32
      %sign3A = arith.constant 0 : i32
      %sign3A_385 = arith.cmpi sgt, %scan3A_257, %sign3A : i32
      %sign3A_386 = arith.extui %sign3A_385 : i1 to i32
      %sign3A_387 = arith.constant 0 : i32
      %sign3A_388 = arith.cmpi slt, %scan3A_257, %sign3A_387 : i32
      %sign3A_389 = arith.extui %sign3A_388 : i1 to i32
      %sign3A_390 = arith.subi %sign3A_386, %sign3A_389 : i32
      %sign3A_391 = arith.constant 0 : i32
      %sign3A_392 = arith.cmpi sgt, %jit3A_384, %sign3A_391 : i32
      %sign3A_393 = arith.extui %sign3A_392 : i1 to i32
      %sign3A_394 = arith.constant 0 : i32
      %sign3A_395 = arith.cmpi slt, %jit3A_384, %sign3A_394 : i32
      %sign3A_396 = arith.extui %sign3A_395 : i1 to i32
      %sign3A_397 = arith.subi %sign3A_393, %sign3A_396 : i32
      %ne3A = arith.cmpi ne, %sign3A_390, %sign3A_397 : i32
      %rem3A_398 = arith.remsi %scan3A_257, %jit3A_384 : i32
      %ne3A_399 = arith.constant 0 : i32
      %ne3A_400 = arith.cmpi ne, %rem3A_398, %ne3A_399 : i32
      %and3A = arith.andi %ne3A, %ne3A_400 : i1
      %sub3A = arith.constant 1 : i32
      %sub3A_401 = arith.subi %div3A, %sub3A : i32
      %select_n3A_402 = arith.select %and3A, %sub3A_401, %div3A : i32
      %mul3A_403 = arith.constant 16 : i32
      %mul3A_404 = arith.muli %select_n3A_402, %mul3A_403 : i32
      %get3A_405 = arith.index_cast %mul3A_404 : i32 to index
      %get3A_406 = tpu.vector_load %arg7[%get3A_405] {strides = array<i32>} : memref<512xi32, #tpu.memory_space<vmem>>, vector<16xi32>,
      %jit3A_407 = arith.constant 0 : i32
      %jit3A_408 = arith.constant 999999 : i32
      %max3A_409 = vector.broadcast %jit3A_407 : i32 to vector<16xi32>
      %max3A_410 = arith.maxsi %max3A_409, %get3A_406 : vector<16xi32>
      %min3A_411 = vector.broadcast %jit3A_408 : i32 to vector<16xi32>
      %min3A_412 = arith.minsi %min3A_411, %max3A_410 : vector<16xi32>
      %and3A_413 = arith.constant 127 : i32
      %and3A_414 = vector.broadcast %and3A_413 : i32 to vector<16xi32>
      %and3A_415 = arith.andi %min3A_412, %and3A_414 : vector<16xi32>
      %rem3A_416 = arith.constant 2 : i32
      %rem3A_417 = arith.remsi %scan3A_257, %rem3A_416 : i32
      %mul3A_418 = arith.constant 8 : i32
      %mul3A_419 = arith.muli %rem3A_417, %mul3A_418 : i32
      %mul3A_420 = arith.constant 8 : i32
      %mul3A_421 = arith.muli %scan3A_257, %mul3A_420 : i32
      %add3A_422 = arith.constant 0 : i32
      %add3A_423 = arith.addi %mul3A_421, %add3A_422 : i32
      %add3A_424 = arith.constant 0 : i32
      %add3A_425 = arith.addi %mul3A_419, %add3A_424 : i32
      %eq3A_426 = vector.broadcast %add3A_425 : i32 to vector<16xi32>
      %eq3A_427 = arith.cmpi eq, %iota3A, %eq3A_426 : vector<16xi32>
      %jit3A_428 = arith.constant 0 : i32
      %broadcast_in_dim3A_429 = vector.broadcast %jit3A_428 : i32 to vector<16xi32>
      %select_n3A_430 = arith.select %eq3A_427, %and3A_415, %broadcast_in_dim3A_429 : vector<16xi1>, vector<16xi32>
      %reduce_max3A_431 = arith.constant true
      %reduce_max3A_432 = vector.broadcast %reduce_max3A_431 : i1 to vector<16xi1>
      %reduce_max3A_433 = arith.constant -2147483648 : i32
      %reduce_max3A_434 = vector.broadcast %reduce_max3A_433 : i32 to vector<16xi32>
      %reduce_max3A_435 = arith.xori %select_n3A_430, %reduce_max3A_434 : vector<16xi32>
      %reduce_max3A_436 = tpu.scan <max>, %reduce_max3A_435 masked %reduce_max3A_432 : vector<16xi32>, vector<16xi1> -> vector<16xi32>
      %reduce_max3A_437 = arith.xori %reduce_max3A_436, %reduce_max3A_434 : vector<16xi32>
      %reduce_max3A_438 = vector.extract %reduce_max3A_437[15] : i32 from vector<16xi32>
      %broadcast_in_dim3A_439 = vector.broadcast %reduce_max3A_438 : i32 to vector<16xi32>
      %broadcast_in_dim3A_440 = vector.broadcast %rem3A_264 : i32 to vector<16xi32>
      %broadcast_in_dim3A_441 = arith.constant 0 : i32
      %broadcast_in_dim3A_442 = vector.broadcast %broadcast_in_dim3A_441 : i32 to vector<16xi32>
      %gather3A = tpu.vector_load_idx %arg10[%broadcast_in_dim3A_440, %broadcast_in_dim3A_442, %iota3A, %broadcast_in_dim3A_439] : memref<2x8x16x128xf32, #tpu.memory_space<vmem>>[vector<16xi32>, vector<16xi32>, vector<16xi32>, vector<16xi32>], vector<16xf32>,
      %swap3A = arith.index_cast %add3A_423 : i32 to index
      %swap3A_443 = arith.constant 0 : index
      %swap3A_444 = tpu.vector_load %arg11[%swap3A, %swap3A_443] {strides = array<i32>} : memref<512x80xf32, #tpu.memory_space<vmem>>, vector<16xf32>,
      tpu.vector_store %arg11[%swap3A, %swap3A_443], %gather3A {strides = array<i32>} : memref<512x80xf32, #tpu.memory_space<vmem>>, vector<16xf32>,
      %mul3A_445 = arith.constant 8 : i32
      %mul3A_446 = arith.muli %scan3A_257, %mul3A_445 : i32
      %add3A_447 = arith.constant 1 : i32
      %add3A_448 = arith.addi %mul3A_446, %add3A_447 : i32
      %add3A_449 = arith.constant 1 : i32
      %add3A_450 = arith.addi %mul3A_419, %add3A_449 : i32
      %eq3A_451 = vector.broadcast %add3A_450 : i32 to vector<16xi32>
      %eq3A_452 = arith.cmpi eq, %iota3A, %eq3A_451 : vector<16xi32>
      %jit3A_453 = arith.constant 0 : i32
      %broadcast_in_dim3A_454 = vector.broadcast %jit3A_453 : i32 to vector<16xi32>
      %select_n3A_455 = arith.select %eq3A_452, %and3A_415, %broadcast_in_dim3A_454 : vector<16xi1>, vector<16xi32>
      %reduce_max3A_456 = arith.constant true
      %reduce_max3A_457 = vector.broadcast %reduce_max3A_456 : i1 to vector<16xi1>
      %reduce_max3A_458 = arith.constant -2147483648 : i32
      %reduce_max3A_459 = vector.broadcast %reduce_max3A_458 : i32 to vector<16xi32>
      %reduce_max3A_460 = arith.xori %select_n3A_455, %reduce_max3A_459 : vector<16xi32>
      %reduce_max3A_461 = tpu.scan <max>, %reduce_max3A_460 masked %reduce_max3A_457 : vector<16xi32>, vector<16xi1> -> vector<16xi32>
      %reduce_max3A_462 = arith.xori %reduce_max3A_461, %reduce_max3A_459 : vector<16xi32>
      %reduce_max3A_463 = vector.extract %reduce_max3A_462[15] : i32 from vector<16xi32>
      %broadcast_in_dim3A_464 = vector.broadcast %reduce_max3A_463 : i32 to vector<16xi32>
      %broadcast_in_dim3A_465 = vector.broadcast %rem3A_264 : i32 to vector<16xi32>
      %broadcast_in_dim3A_466 = arith.constant 1 : i32
      %broadcast_in_dim3A_467 = vector.broadcast %broadcast_in_dim3A_466 : i32 to vector<16xi32>
      %gather3A_468 = tpu.vector_load_idx %arg10[%broadcast_in_dim3A_465, %broadcast_in_dim3A_467, %iota3A, %broadcast_in_dim3A_464] : memref<2x8x16x128xf32, #tpu.memory_space<vmem>>[vector<16xi32>, vector<16xi32>, vector<16xi32>, vector<16xi32>], vector<16xf32>,
      %swap3A_469 = arith.index_cast %add3A_448 : i32 to index
      %swap3A_470 = arith.constant 0 : index
      %swap3A_471 = tpu.vector_load %arg11[%swap3A_469, %swap3A_470] {strides = array<i32>} : memref<512x80xf32, #tpu.memory_space<vmem>>, vector<16xf32>,
      tpu.vector_store %arg11[%swap3A_469, %swap3A_470], %gather3A_468 {strides = array<i32>} : memref<512x80xf32, #tpu.memory_space<vmem>>, vector<16xf32>,
      %mul3A_472 = arith.constant 8 : i32
      %mul3A_473 = arith.muli %scan3A_257, %mul3A_472 : i32
      %add3A_474 = arith.constant 2 : i32
      %add3A_475 = arith.addi %mul3A_473, %add3A_474 : i32
      %add3A_476 = arith.constant 2 : i32
      %add3A_477 = arith.addi %mul3A_419, %add3A_476 : i32
      %eq3A_478 = vector.broadcast %add3A_477 : i32 to vector<16xi32>
      %eq3A_479 = arith.cmpi eq, %iota3A, %eq3A_478 : vector<16xi32>
      %jit3A_480 = arith.constant 0 : i32
      %broadcast_in_dim3A_481 = vector.broadcast %jit3A_480 : i32 to vector<16xi32>
      %select_n3A_482 = arith.select %eq3A_479, %and3A_415, %broadcast_in_dim3A_481 : vector<16xi1>, vector<16xi32>
      %reduce_max3A_483 = arith.constant true
      %reduce_max3A_484 = vector.broadcast %reduce_max3A_483 : i1 to vector<16xi1>
      %reduce_max3A_485 = arith.constant -2147483648 : i32
      %reduce_max3A_486 = vector.broadcast %reduce_max3A_485 : i32 to vector<16xi32>
      %reduce_max3A_487 = arith.xori %select_n3A_482, %reduce_max3A_486 : vector<16xi32>
      %reduce_max3A_488 = tpu.scan <max>, %reduce_max3A_487 masked %reduce_max3A_484 : vector<16xi32>, vector<16xi1> -> vector<16xi32>
      %reduce_max3A_489 = arith.xori %reduce_max3A_488, %reduce_max3A_486 : vector<16xi32>
      %reduce_max3A_490 = vector.extract %reduce_max3A_489[15] : i32 from vector<16xi32>
      %broadcast_in_dim3A_491 = vector.broadcast %reduce_max3A_490 : i32 to vector<16xi32>
      %broadcast_in_dim3A_492 = vector.broadcast %rem3A_264 : i32 to vector<16xi32>
      %broadcast_in_dim3A_493 = arith.constant 2 : i32
      %broadcast_in_dim3A_494 = vector.broadcast %broadcast_in_dim3A_493 : i32 to vector<16xi32>
      %gather3A_495 = tpu.vector_load_idx %arg10[%broadcast_in_dim3A_492, %broadcast_in_dim3A_494, %iota3A, %broadcast_in_dim3A_491] : memref<2x8x16x128xf32, #tpu.memory_space<vmem>>[vector<16xi32>, vector<16xi32>, vector<16xi32>, vector<16xi32>], vector<16xf32>,
      %swap3A_496 = arith.index_cast %add3A_475 : i32 to index
      %swap3A_497 = arith.constant 0 : index
      %swap3A_498 = tpu.vector_load %arg11[%swap3A_496, %swap3A_497] {strides = array<i32>} : memref<512x80xf32, #tpu.memory_space<vmem>>, vector<16xf32>,
      tpu.vector_store %arg11[%swap3A_496, %swap3A_497], %gather3A_495 {strides = array<i32>} : memref<512x80xf32, #tpu.memory_space<vmem>>, vector<16xf32>,
      %mul3A_499 = arith.constant 8 : i32
      %mul3A_500 = arith.muli %scan3A_257, %mul3A_499 : i32
      %add3A_501 = arith.constant 3 : i32
      %add3A_502 = arith.addi %mul3A_500, %add3A_501 : i32
      %add3A_503 = arith.constant 3 : i32
      %add3A_504 = arith.addi %mul3A_419, %add3A_503 : i32
      %eq3A_505 = vector.broadcast %add3A_504 : i32 to vector<16xi32>
      %eq3A_506 = arith.cmpi eq, %iota3A, %eq3A_505 : vector<16xi32>
      %jit3A_507 = arith.constant 0 : i32
      %broadcast_in_dim3A_508 = vector.broadcast %jit3A_507 : i32 to vector<16xi32>
      %select_n3A_509 = arith.select %eq3A_506, %and3A_415, %broadcast_in_dim3A_508 : vector<16xi1>, vector<16xi32>
      %reduce_max3A_510 = arith.constant true
      %reduce_max3A_511 = vector.broadcast %reduce_max3A_510 : i1 to vector<16xi1>
      %reduce_max3A_512 = arith.constant -2147483648 : i32
      %reduce_max3A_513 = vector.broadcast %reduce_max3A_512 : i32 to vector<16xi32>
      %reduce_max3A_514 = arith.xori %select_n3A_509, %reduce_max3A_513 : vector<16xi32>
      %reduce_max3A_515 = tpu.scan <max>, %reduce_max3A_514 masked %reduce_max3A_511 : vector<16xi32>, vector<16xi1> -> vector<16xi32>
      %reduce_max3A_516 = arith.xori %reduce_max3A_515, %reduce_max3A_513 : vector<16xi32>
      %reduce_max3A_517 = vector.extract %reduce_max3A_516[15] : i32 from vector<16xi32>
      %broadcast_in_dim3A_518 = vector.broadcast %reduce_max3A_517 : i32 to vector<16xi32>
      %broadcast_in_dim3A_519 = vector.broadcast %rem3A_264 : i32 to vector<16xi32>
      %broadcast_in_dim3A_520 = arith.constant 3 : i32
      %broadcast_in_dim3A_521 = vector.broadcast %broadcast_in_dim3A_520 : i32 to vector<16xi32>
      %gather3A_522 = tpu.vector_load_idx %arg10[%broadcast_in_dim3A_519, %broadcast_in_dim3A_521, %iota3A, %broadcast_in_dim3A_518] : memref<2x8x16x128xf32, #tpu.memory_space<vmem>>[vector<16xi32>, vector<16xi32>, vector<16xi32>, vector<16xi32>], vector<16xf32>,
      %swap3A_523 = arith.index_cast %add3A_502 : i32 to index
      %swap3A_524 = arith.constant 0 : index
      %swap3A_525 = tpu.vector_load %arg11[%swap3A_523, %swap3A_524] {strides = array<i32>} : memref<512x80xf32, #tpu.memory_space<vmem>>, vector<16xf32>,
      tpu.vector_store %arg11[%swap3A_523, %swap3A_524], %gather3A_522 {strides = array<i32>} : memref<512x80xf32, #tpu.memory_space<vmem>>, vector<16xf32>,
      %mul3A_526 = arith.constant 8 : i32
      %mul3A_527 = arith.muli %scan3A_257, %mul3A_526 : i32
      %add3A_528 = arith.constant 4 : i32
      %add3A_529 = arith.addi %mul3A_527, %add3A_528 : i32
      %add3A_530 = arith.constant 4 : i32
      %add3A_531 = arith.addi %mul3A_419, %add3A_530 : i32
      %eq3A_532 = vector.broadcast %add3A_531 : i32 to vector<16xi32>
      %eq3A_533 = arith.cmpi eq, %iota3A, %eq3A_532 : vector<16xi32>
      %jit3A_534 = arith.constant 0 : i32
      %broadcast_in_dim3A_535 = vector.broadcast %jit3A_534 : i32 to vector<16xi32>
      %select_n3A_536 = arith.select %eq3A_533, %and3A_415, %broadcast_in_dim3A_535 : vector<16xi1>, vector<16xi32>
      %reduce_max3A_537 = arith.constant true
      %reduce_max3A_538 = vector.broadcast %reduce_max3A_537 : i1 to vector<16xi1>
      %reduce_max3A_539 = arith.constant -2147483648 : i32
      %reduce_max3A_540 = vector.broadcast %reduce_max3A_539 : i32 to vector<16xi32>
      %reduce_max3A_541 = arith.xori %select_n3A_536, %reduce_max3A_540 : vector<16xi32>
      %reduce_max3A_542 = tpu.scan <max>, %reduce_max3A_541 masked %reduce_max3A_538 : vector<16xi32>, vector<16xi1> -> vector<16xi32>
      %reduce_max3A_543 = arith.xori %reduce_max3A_542, %reduce_max3A_540 : vector<16xi32>
      %reduce_max3A_544 = vector.extract %reduce_max3A_543[15] : i32 from vector<16xi32>
      %broadcast_in_dim3A_545 = vector.broadcast %reduce_max3A_544 : i32 to vector<16xi32>
      %broadcast_in_dim3A_546 = vector.broadcast %rem3A_264 : i32 to vector<16xi32>
      %broadcast_in_dim3A_547 = arith.constant 4 : i32
      %broadcast_in_dim3A_548 = vector.broadcast %broadcast_in_dim3A_547 : i32 to vector<16xi32>
      %gather3A_549 = tpu.vector_load_idx %arg10[%broadcast_in_dim3A_546, %broadcast_in_dim3A_548, %iota3A, %broadcast_in_dim3A_545] : memref<2x8x16x128xf32, #tpu.memory_space<vmem>>[vector<16xi32>, vector<16xi32>, vector<16xi32>, vector<16xi32>], vector<16xf32>,
      %swap3A_550 = arith.index_cast %add3A_529 : i32 to index
      %swap3A_551 = arith.constant 0 : index
      %swap3A_552 = tpu.vector_load %arg11[%swap3A_550, %swap3A_551] {strides = array<i32>} : memref<512x80xf32, #tpu.memory_space<vmem>>, vector<16xf32>,
      tpu.vector_store %arg11[%swap3A_550, %swap3A_551], %gather3A_549 {strides = array<i32>} : memref<512x80xf32, #tpu.memory_space<vmem>>, vector<16xf32>,
      %mul3A_553 = arith.constant 8 : i32
      %mul3A_554 = arith.muli %scan3A_257, %mul3A_553 : i32
      %add3A_555 = arith.constant 5 : i32
      %add3A_556 = arith.addi %mul3A_554, %add3A_555 : i32
      %add3A_557 = arith.constant 5 : i32
      %add3A_558 = arith.addi %mul3A_419, %add3A_557 : i32
      %eq3A_559 = vector.broadcast %add3A_558 : i32 to vector<16xi32>
      %eq3A_560 = arith.cmpi eq, %iota3A, %eq3A_559 : vector<16xi32>
      %jit3A_561 = arith.constant 0 : i32
      %broadcast_in_dim3A_562 = vector.broadcast %jit3A_561 : i32 to vector<16xi32>
      %select_n3A_563 = arith.select %eq3A_560, %and3A_415, %broadcast_in_dim3A_562 : vector<16xi1>, vector<16xi32>
      %reduce_max3A_564 = arith.constant true
      %reduce_max3A_565 = vector.broadcast %reduce_max3A_564 : i1 to vector<16xi1>
      %reduce_max3A_566 = arith.constant -2147483648 : i32
      %reduce_max3A_567 = vector.broadcast %reduce_max3A_566 : i32 to vector<16xi32>
      %reduce_max3A_568 = arith.xori %select_n3A_563, %reduce_max3A_567 : vector<16xi32>
      %reduce_max3A_569 = tpu.scan <max>, %reduce_max3A_568 masked %reduce_max3A_565 : vector<16xi32>, vector<16xi1> -> vector<16xi32>
      %reduce_max3A_570 = arith.xori %reduce_max3A_569, %reduce_max3A_567 : vector<16xi32>
      %reduce_max3A_571 = vector.extract %reduce_max3A_570[15] : i32 from vector<16xi32>
      %broadcast_in_dim3A_572 = vector.broadcast %reduce_max3A_571 : i32 to vector<16xi32>
      %broadcast_in_dim3A_573 = vector.broadcast %rem3A_264 : i32 to vector<16xi32>
      %broadcast_in_dim3A_574 = arith.constant 5 : i32
      %broadcast_in_dim3A_575 = vector.broadcast %broadcast_in_dim3A_574 : i32 to vector<16xi32>
      %gather3A_576 = tpu.vector_load_idx %arg10[%broadcast_in_dim3A_573, %broadcast_in_dim3A_575, %iota3A, %broadcast_in_dim3A_572] : memref<2x8x16x128xf32, #tpu.memory_space<vmem>>[vector<16xi32>, vector<16xi32>, vector<16xi32>, vector<16xi32>], vector<16xf32>,
      %swap3A_577 = arith.index_cast %add3A_556 : i32 to index
      %swap3A_578 = arith.constant 0 : index
      %swap3A_579 = tpu.vector_load %arg11[%swap3A_577, %swap3A_578] {strides = array<i32>} : memref<512x80xf32, #tpu.memory_space<vmem>>, vector<16xf32>,
      tpu.vector_store %arg11[%swap3A_577, %swap3A_578], %gather3A_576 {strides = array<i32>} : memref<512x80xf32, #tpu.memory_space<vmem>>, vector<16xf32>,
      %mul3A_580 = arith.constant 8 : i32
      %mul3A_581 = arith.muli %scan3A_257, %mul3A_580 : i32
      %add3A_582 = arith.constant 6 : i32
      %add3A_583 = arith.addi %mul3A_581, %add3A_582 : i32
      %add3A_584 = arith.constant 6 : i32
      %add3A_585 = arith.addi %mul3A_419, %add3A_584 : i32
      %eq3A_586 = vector.broadcast %add3A_585 : i32 to vector<16xi32>
      %eq3A_587 = arith.cmpi eq, %iota3A, %eq3A_586 : vector<16xi32>
      %jit3A_588 = arith.constant 0 : i32
      %broadcast_in_dim3A_589 = vector.broadcast %jit3A_588 : i32 to vector<16xi32>
      %select_n3A_590 = arith.select %eq3A_587, %and3A_415, %broadcast_in_dim3A_589 : vector<16xi1>, vector<16xi32>
      %reduce_max3A_591 = arith.constant true
      %reduce_max3A_592 = vector.broadcast %reduce_max3A_591 : i1 to vector<16xi1>
      %reduce_max3A_593 = arith.constant -2147483648 : i32
      %reduce_max3A_594 = vector.broadcast %reduce_max3A_593 : i32 to vector<16xi32>
      %reduce_max3A_595 = arith.xori %select_n3A_590, %reduce_max3A_594 : vector<16xi32>
      %reduce_max3A_596 = tpu.scan <max>, %reduce_max3A_595 masked %reduce_max3A_592 : vector<16xi32>, vector<16xi1> -> vector<16xi32>
      %reduce_max3A_597 = arith.xori %reduce_max3A_596, %reduce_max3A_594 : vector<16xi32>
      %reduce_max3A_598 = vector.extract %reduce_max3A_597[15] : i32 from vector<16xi32>
      %broadcast_in_dim3A_599 = vector.broadcast %reduce_max3A_598 : i32 to vector<16xi32>
      %broadcast_in_dim3A_600 = vector.broadcast %rem3A_264 : i32 to vector<16xi32>
      %broadcast_in_dim3A_601 = arith.constant 6 : i32
      %broadcast_in_dim3A_602 = vector.broadcast %broadcast_in_dim3A_601 : i32 to vector<16xi32>
      %gather3A_603 = tpu.vector_load_idx %arg10[%broadcast_in_dim3A_600, %broadcast_in_dim3A_602, %iota3A, %broadcast_in_dim3A_599] : memref<2x8x16x128xf32, #tpu.memory_space<vmem>>[vector<16xi32>, vector<16xi32>, vector<16xi32>, vector<16xi32>], vector<16xf32>,
      %swap3A_604 = arith.index_cast %add3A_583 : i32 to index
      %swap3A_605 = arith.constant 0 : index
      %swap3A_606 = tpu.vector_load %arg11[%swap3A_604, %swap3A_605] {strides = array<i32>} : memref<512x80xf32, #tpu.memory_space<vmem>>, vector<16xf32>,
      tpu.vector_store %arg11[%swap3A_604, %swap3A_605], %gather3A_603 {strides = array<i32>} : memref<512x80xf32, #tpu.memory_space<vmem>>, vector<16xf32>,
      %mul3A_607 = arith.constant 8 : i32
      %mul3A_608 = arith.muli %scan3A_257, %mul3A_607 : i32
      %add3A_609 = arith.constant 7 : i32
      %add3A_610 = arith.addi %mul3A_608, %add3A_609 : i32
      %add3A_611 = arith.constant 7 : i32
      %add3A_612 = arith.addi %mul3A_419, %add3A_611 : i32
      %eq3A_613 = vector.broadcast %add3A_612 : i32 to vector<16xi32>
      %eq3A_614 = arith.cmpi eq, %iota3A, %eq3A_613 : vector<16xi32>
      %jit3A_615 = arith.constant 0 : i32
      %broadcast_in_dim3A_616 = vector.broadcast %jit3A_615 : i32 to vector<16xi32>
      %select_n3A_617 = arith.select %eq3A_614, %and3A_415, %broadcast_in_dim3A_616 : vector<16xi1>, vector<16xi32>
      %reduce_max3A_618 = arith.constant true
      %reduce_max3A_619 = vector.broadcast %reduce_max3A_618 : i1 to vector<16xi1>
      %reduce_max3A_620 = arith.constant -2147483648 : i32
      %reduce_max3A_621 = vector.broadcast %reduce_max3A_620 : i32 to vector<16xi32>
      %reduce_max3A_622 = arith.xori %select_n3A_617, %reduce_max3A_621 : vector<16xi32>
      %reduce_max3A_623 = tpu.scan <max>, %reduce_max3A_622 masked %reduce_max3A_619 : vector<16xi32>, vector<16xi1> -> vector<16xi32>
      %reduce_max3A_624 = arith.xori %reduce_max3A_623, %reduce_max3A_621 : vector<16xi32>
      %reduce_max3A_625 = vector.extract %reduce_max3A_624[15] : i32 from vector<16xi32>
      %broadcast_in_dim3A_626 = vector.broadcast %reduce_max3A_625 : i32 to vector<16xi32>
      %broadcast_in_dim3A_627 = vector.broadcast %rem3A_264 : i32 to vector<16xi32>
      %broadcast_in_dim3A_628 = arith.constant 7 : i32
      %broadcast_in_dim3A_629 = vector.broadcast %broadcast_in_dim3A_628 : i32 to vector<16xi32>
      %gather3A_630 = tpu.vector_load_idx %arg10[%broadcast_in_dim3A_627, %broadcast_in_dim3A_629, %iota3A, %broadcast_in_dim3A_626] : memref<2x8x16x128xf32, #tpu.memory_space<vmem>>[vector<16xi32>, vector<16xi32>, vector<16xi32>, vector<16xi32>], vector<16xf32>,
      %swap3A_631 = arith.index_cast %add3A_610 : i32 to index
      %swap3A_632 = arith.constant 0 : index
      %swap3A_633 = tpu.vector_load %arg11[%swap3A_631, %swap3A_632] {strides = array<i32>} : memref<512x80xf32, #tpu.memory_space<vmem>>, vector<16xf32>,
      tpu.vector_store %arg11[%swap3A_631, %swap3A_632], %gather3A_630 {strides = array<i32>} : memref<512x80xf32, #tpu.memory_space<vmem>>, vector<16xf32>,
      %scan3A_634 = arith.constant 0 : i32
      scf.yield %scan3A_634 : i32
    }
    %scan3A_249 = arith.constant 64 : i32
    %scan3A_250 = arith.constant 0 : i32
    %scan3A_251 = arith.constant 0 : i32
    %scan3A_252 = arith.constant 32 : i32
    %scan3A_253 = arith.addi %scan3A_251, %scan3A_252 : i32
    %scan3A_254 = arith.constant 1 : i32
    %scan3A_255 = scf.for %scan3A_257 = %scan3A_251 to %scan3A_253 step %scan3A_254 iter_args(%scan3A_258 = %scan3A_250) -> (i32)  : i32 {
      %mul3A_259 = arith.constant 16 : i32
      %mul3A_260 = arith.muli %scan3A_257, %mul3A_259 : i32
      %add3A_261 = vector.broadcast %mul3A_260 : i32 to vector<16xi32>
      %add3A_262 = arith.addi %add3A_261, %iota3A : vector<16xi32>
      %mul3A_263 = arith.constant 16 : i32
      %mul3A_264 = arith.muli %scan3A_257, %mul3A_263 : i32
      %get3A_265 = arith.constant 0 : i32
      %get3A_266 = arith.index_cast %get3A_265 : i32 to index
      %get3A_267 = arith.index_cast %mul3A_264 : i32 to index
      %get3A_268 = tpu.vector_load %arg8[%get3A_266, %get3A_267] {strides = array<i32>} : memref<4x512xi32, #tpu.memory_space<vmem>>, vector<16xi32>,
      %jit3A_269 = arith.constant 0 : i32
      %jit3A_270 = arith.constant 255 : i32
      %max3A_271 = vector.broadcast %jit3A_269 : i32 to vector<16xi32>
      %max3A_272 = arith.maxsi %max3A_271, %get3A_268 : vector<16xi32>
      %min3A_273 = vector.broadcast %jit3A_270 : i32 to vector<16xi32>
      %min3A_274 = arith.minsi %min3A_273, %max3A_272 : vector<16xi32>
      %mul3A_275 = arith.constant 16 : i32
      %mul3A_276 = vector.broadcast %mul3A_275 : i32 to vector<16xi32>
      %mul3A_277 = arith.muli %min3A_274, %mul3A_276 : vector<16xi32>
      %add3A_278 = arith.constant 0 : i32
      %add3A_279 = vector.broadcast %add3A_278 : i32 to vector<16xi32>
      %add3A_280 = arith.addi %mul3A_277, %add3A_279 : vector<16xi32>
      %add3A_281 = arith.constant 0 : i32
      %add3A_282 = vector.broadcast %add3A_281 : i32 to vector<16xi32>
      %add3A_283 = arith.addi %add3A_280, %add3A_282 : vector<16xi32>
      %gather3A = tpu.vector_load_idx %arg9[%add3A_283] : memref<16384xf32, #tpu.memory_space<vmem>>[vector<16xi32>], vector<16xf32>,
      %broadcast_in_dim3A_284 = arith.constant 16 : i32
      %broadcast_in_dim3A_285 = vector.broadcast %broadcast_in_dim3A_284 : i32 to vector<16xi32>
      tpu.vector_store_idx %arg11[%add3A_262, %broadcast_in_dim3A_285], %gather3A : memref<512x80xf32, #tpu.memory_space<vmem>>[vector<16xi32>, vector<16xi32>], vector<16xf32>,
      %add3A_286 = arith.constant 1 : i32
      %add3A_287 = vector.broadcast %add3A_286 : i32 to vector<16xi32>
      %add3A_288 = arith.addi %add3A_280, %add3A_287 : vector<16xi32>
      %gather3A_289 = tpu.vector_load_idx %arg9[%add3A_288] : memref<16384xf32, #tpu.memory_space<vmem>>[vector<16xi32>], vector<16xf32>,
      %broadcast_in_dim3A_290 = arith.constant 17 : i32
      %broadcast_in_dim3A_291 = vector.broadcast %broadcast_in_dim3A_290 : i32 to vector<16xi32>
      tpu.vector_store_idx %arg11[%add3A_262, %broadcast_in_dim3A_291], %gather3A_289 : memref<512x80xf32, #tpu.memory_space<vmem>>[vector<16xi32>, vector<16xi32>], vector<16xf32>,
      %add3A_292 = arith.constant 2 : i32
      %add3A_293 = vector.broadcast %add3A_292 : i32 to vector<16xi32>
      %add3A_294 = arith.addi %add3A_280, %add3A_293 : vector<16xi32>
      %gather3A_295 = tpu.vector_load_idx %arg9[%add3A_294] : memref<16384xf32, #tpu.memory_space<vmem>>[vector<16xi32>], vector<16xf32>,
      %broadcast_in_dim3A_296 = arith.constant 18 : i32
      %broadcast_in_dim3A_297 = vector.broadcast %broadcast_in_dim3A_296 : i32 to vector<16xi32>
      tpu.vector_store_idx %arg11[%add3A_262, %broadcast_in_dim3A_297], %gather3A_295 : memref<512x80xf32, #tpu.memory_space<vmem>>[vector<16xi32>, vector<16xi32>], vector<16xf32>,
      %add3A_298 = arith.constant 3 : i32
      %add3A_299 = vector.broadcast %add3A_298 : i32 to vector<16xi32>
      %add3A_300 = arith.addi %add3A_280, %add3A_299 : vector<16xi32>
      %gather3A_301 = tpu.vector_load_idx %arg9[%add3A_300] : memref<16384xf32, #tpu.memory_space<vmem>>[vector<16xi32>], vector<16xf32>,
      %broadcast_in_dim3A_302 = arith.constant 19 : i32
      %broadcast_in_dim3A_303 = vector.broadcast %broadcast_in_dim3A_302 : i32 to vector<16xi32>
      tpu.vector_store_idx %arg11[%add3A_262, %broadcast_in_dim3A_303], %gather3A_301 : memref<512x80xf32, #tpu.memory_space<vmem>>[vector<16xi32>, vector<16xi32>], vector<16xf32>,
      %add3A_304 = arith.constant 4 : i32
      %add3A_305 = vector.broadcast %add3A_304 : i32 to vector<16xi32>
      %add3A_306 = arith.addi %add3A_280, %add3A_305 : vector<16xi32>
      %gather3A_307 = tpu.vector_load_idx %arg9[%add3A_306] : memref<16384xf32, #tpu.memory_space<vmem>>[vector<16xi32>], vector<16xf32>,
      %broadcast_in_dim3A_308 = arith.constant 20 : i32
      %broadcast_in_dim3A_309 = vector.broadcast %broadcast_in_dim3A_308 : i32 to vector<16xi32>
      tpu.vector_store_idx %arg11[%add3A_262, %broadcast_in_dim3A_309], %gather3A_307 : memref<512x80xf32, #tpu.memory_space<vmem>>[vector<16xi32>, vector<16xi32>], vector<16xf32>,
      %add3A_310 = arith.constant 5 : i32
      %add3A_311 = vector.broadcast %add3A_310 : i32 to vector<16xi32>
      %add3A_312 = arith.addi %add3A_280, %add3A_311 : vector<16xi32>
      %gather3A_313 = tpu.vector_load_idx %arg9[%add3A_312] : memref<16384xf32, #tpu.memory_space<vmem>>[vector<16xi32>], vector<16xf32>,
      %broadcast_in_dim3A_314 = arith.constant 21 : i32
      %broadcast_in_dim3A_315 = vector.broadcast %broadcast_in_dim3A_314 : i32 to vector<16xi32>
      tpu.vector_store_idx %arg11[%add3A_262, %broadcast_in_dim3A_315], %gather3A_313 : memref<512x80xf32, #tpu.memory_space<vmem>>[vector<16xi32>, vector<16xi32>], vector<16xf32>,
      %add3A_316 = arith.constant 6 : i32
      %add3A_317 = vector.broadcast %add3A_316 : i32 to vector<16xi32>
      %add3A_318 = arith.addi %add3A_280, %add3A_317 : vector<16xi32>
      %gather3A_319 = tpu.vector_load_idx %arg9[%add3A_318] : memref<16384xf32, #tpu.memory_space<vmem>>[vector<16xi32>], vector<16xf32>,
      %broadcast_in_dim3A_320 = arith.constant 22 : i32
      %broadcast_in_dim3A_321 = vector.broadcast %broadcast_in_dim3A_320 : i32 to vector<16xi32>
      tpu.vector_store_idx %arg11[%add3A_262, %broadcast_in_dim3A_321], %gather3A_319 : memref<512x80xf32, #tpu.memory_space<vmem>>[vector<16xi32>, vector<16xi32>], vector<16xf32>,
      %add3A_322 = arith.constant 7 : i32
      %add3A_323 = vector.broadcast %add3A_322 : i32 to vector<16xi32>
      %add3A_324 = arith.addi %add3A_280, %add3A_323 : vector<16xi32>
      %gather3A_325 = tpu.vector_load_idx %arg9[%add3A_324] : memref<16384xf32, #tpu.memory_space<vmem>>[vector<16xi32>], vector<16xf32>,
      %broadcast_in_dim3A_326 = arith.constant 23 : i32
      %broadcast_in_dim3A_327 = vector.broadcast %broadcast_in_dim3A_326 : i32 to vector<16xi32>
      tpu.vector_store_idx %arg11[%add3A_262, %broadcast_in_dim3A_327], %gather3A_325 : memref<512x80xf32, #tpu.memory_space<vmem>>[vector<16xi32>, vector<16xi32>], vector<16xf32>,
      %add3A_328 = arith.constant 8 : i32
      %add3A_329 = vector.broadcast %add3A_328 : i32 to vector<16xi32>
      %add3A_330 = arith.addi %add3A_280, %add3A_329 : vector<16xi32>
      %gather3A_331 = tpu.vector_load_idx %arg9[%add3A_330] : memref<16384xf32, #tpu.memory_space<vmem>>[vector<16xi32>], vector<16xf32>,
      %broadcast_in_dim3A_332 = arith.constant 24 : i32
      %broadcast_in_dim3A_333 = vector.broadcast %broadcast_in_dim3A_332 : i32 to vector<16xi32>
      tpu.vector_store_idx %arg11[%add3A_262, %broadcast_in_dim3A_333], %gather3A_331 : memref<512x80xf32, #tpu.memory_space<vmem>>[vector<16xi32>, vector<16xi32>], vector<16xf32>,
      %add3A_334 = arith.constant 9 : i32
      %add3A_335 = vector.broadcast %add3A_334 : i32 to vector<16xi32>
      %add3A_336 = arith.addi %add3A_280, %add3A_335 : vector<16xi32>
      %gather3A_337 = tpu.vector_load_idx %arg9[%add3A_336] : memref<16384xf32, #tpu.memory_space<vmem>>[vector<16xi32>], vector<16xf32>,
      %broadcast_in_dim3A_338 = arith.constant 25 : i32
      %broadcast_in_dim3A_339 = vector.broadcast %broadcast_in_dim3A_338 : i32 to vector<16xi32>
      tpu.vector_store_idx %arg11[%add3A_262, %broadcast_in_dim3A_339], %gather3A_337 : memref<512x80xf32, #tpu.memory_space<vmem>>[vector<16xi32>, vector<16xi32>], vector<16xf32>,
      %add3A_340 = arith.constant 10 : i32
      %add3A_341 = vector.broadcast %add3A_340 : i32 to vector<16xi32>
      %add3A_342 = arith.addi %add3A_280, %add3A_341 : vector<16xi32>
      %gather3A_343 = tpu.vector_load_idx %arg9[%add3A_342] : memref<16384xf32, #tpu.memory_space<vmem>>[vector<16xi32>], vector<16xf32>,
      %broadcast_in_dim3A_344 = arith.constant 26 : i32
      %broadcast_in_dim3A_345 = vector.broadcast %broadcast_in_dim3A_344 : i32 to vector<16xi32>
      tpu.vector_store_idx %arg11[%add3A_262, %broadcast_in_dim3A_345], %gather3A_343 : memref<512x80xf32, #tpu.memory_space<vmem>>[vector<16xi32>, vector<16xi32>], vector<16xf32>,
      %add3A_346 = arith.constant 11 : i32
      %add3A_347 = vector.broadcast %add3A_346 : i32 to vector<16xi32>
      %add3A_348 = arith.addi %add3A_280, %add3A_347 : vector<16xi32>
      %gather3A_349 = tpu.vector_load_idx %arg9[%add3A_348] : memref<16384xf32, #tpu.memory_space<vmem>>[vector<16xi32>], vector<16xf32>,
      %broadcast_in_dim3A_350 = arith.constant 27 : i32
      %broadcast_in_dim3A_351 = vector.broadcast %broadcast_in_dim3A_350 : i32 to vector<16xi32>
      tpu.vector_store_idx %arg11[%add3A_262, %broadcast_in_dim3A_351], %gather3A_349 : memref<512x80xf32, #tpu.memory_space<vmem>>[vector<16xi32>, vector<16xi32>], vector<16xf32>,
      %add3A_352 = arith.constant 12 : i32
      %add3A_353 = vector.broadcast %add3A_352 : i32 to vector<16xi32>
      %add3A_354 = arith.addi %add3A_280, %add3A_353 : vector<16xi32>
      %gather3A_355 = tpu.vector_load_idx %arg9[%add3A_354] : memref<16384xf32, #tpu.memory_space<vmem>>[vector<16xi32>], vector<16xf32>,
      %broadcast_in_dim3A_356 = arith.constant 28 : i32
      %broadcast_in_dim3A_357 = vector.broadcast %broadcast_in_dim3A_356 : i32 to vector<16xi32>
      tpu.vector_store_idx %arg11[%add3A_262, %broadcast_in_dim3A_357], %gather3A_355 : memref<512x80xf32, #tpu.memory_space<vmem>>[vector<16xi32>, vector<16xi32>], vector<16xf32>,
      %add3A_358 = arith.constant 13 : i32
      %add3A_359 = vector.broadcast %add3A_358 : i32 to vector<16xi32>
      %add3A_360 = arith.addi %add3A_280, %add3A_359 : vector<16xi32>
      %gather3A_361 = tpu.vector_load_idx %arg9[%add3A_360] : memref<16384xf32, #tpu.memory_space<vmem>>[vector<16xi32>], vector<16xf32>,
      %broadcast_in_dim3A_362 = arith.constant 29 : i32
      %broadcast_in_dim3A_363 = vector.broadcast %broadcast_in_dim3A_362 : i32 to vector<16xi32>
      tpu.vector_store_idx %arg11[%add3A_262, %broadcast_in_dim3A_363], %gather3A_361 : memref<512x80xf32, #tpu.memory_space<vmem>>[vector<16xi32>, vector<16xi32>], vector<16xf32>,
      %add3A_364 = arith.constant 14 : i32
      %add3A_365 = vector.broadcast %add3A_364 : i32 to vector<16xi32>
      %add3A_366 = arith.addi %add3A_280, %add3A_365 : vector<16xi32>
      %gather3A_367 = tpu.vector_load_idx %arg9[%add3A_366] : memref<16384xf32, #tpu.memory_space<vmem>>[vector<16xi32>], vector<16xf32>,
      %broadcast_in_dim3A_368 = arith.constant 30 : i32
      %broadcast_in_dim3A_369 = vector.broadcast %broadcast_in_dim3A_368 : i32 to vector<16xi32>
      tpu.vector_store_idx %arg11[%add3A_262, %broadcast_in_dim3A_369], %gather3A_367 : memref<512x80xf32, #tpu.memory_space<vmem>>[vector<16xi32>, vector<16xi32>], vector<16xf32>,
      %add3A_370 = arith.constant 15 : i32
      %add3A_371 = vector.broadcast %add3A_370 : i32 to vector<16xi32>
      %add3A_372 = arith.addi %add3A_280, %add3A_371 : vector<16xi32>
      %gather3A_373 = tpu.vector_load_idx %arg9[%add3A_372] : memref<16384xf32, #tpu.memory_space<vmem>>[vector<16xi32>], vector<16xf32>,
      %broadcast_in_dim3A_374 = arith.constant 31 : i32
      %broadcast_in_dim3A_375 = vector.broadcast %broadcast_in_dim3A_374 : i32 to vector<16xi32>
      tpu.vector_store_idx %arg11[%add3A_262, %broadcast_in_dim3A_375], %gather3A_373 : memref<512x80xf32, #tpu.memory_space<vmem>>[vector<16xi32>, vector<16xi32>], vector<16xf32>,
      %mul3A_376 = arith.constant 16 : i32
      %mul3A_377 = arith.muli %scan3A_257, %mul3A_376 : i32
      %get3A_378 = arith.constant 1 : i32
      %get3A_379 = arith.index_cast %get3A_378 : i32 to index
      %get3A_380 = arith.index_cast %mul3A_377 : i32 to index
      %get3A_381 = tpu.vector_load %arg8[%get3A_379, %get3A_380] {strides = array<i32>} : memref<4x512xi32, #tpu.memory_space<vmem>>, vector<16xi32>,
      %jit3A_382 = arith.constant 0 : i32
      %jit3A_383 = arith.constant 255 : i32
      %max3A_384 = vector.broadcast %jit3A_382 : i32 to vector<16xi32>
      %max3A_385 = arith.maxsi %max3A_384, %get3A_381 : vector<16xi32>
      %min3A_386 = vector.broadcast %jit3A_383 : i32 to vector<16xi32>
      %min3A_387 = arith.minsi %min3A_386, %max3A_385 : vector<16xi32>
      %mul3A_388 = arith.constant 16 : i32
      %mul3A_389 = vector.broadcast %mul3A_388 : i32 to vector<16xi32>
      %mul3A_390 = arith.muli %min3A_387, %mul3A_389 : vector<16xi32>
      %add3A_391 = arith.constant 4096 : i32
      %add3A_392 = vector.broadcast %add3A_391 : i32 to vector<16xi32>
      %add3A_393 = arith.addi %mul3A_390, %add3A_392 : vector<16xi32>
      %add3A_394 = arith.constant 0 : i32
      %add3A_395 = vector.broadcast %add3A_394 : i32 to vector<16xi32>
      %add3A_396 = arith.addi %add3A_393, %add3A_395 : vector<16xi32>
      %gather3A_397 = tpu.vector_load_idx %arg9[%add3A_396] : memref<16384xf32, #tpu.memory_space<vmem>>[vector<16xi32>], vector<16xf32>,
      %broadcast_in_dim3A_398 = arith.constant 32 : i32
      %broadcast_in_dim3A_399 = vector.broadcast %broadcast_in_dim3A_398 : i32 to vector<16xi32>
      tpu.vector_store_idx %arg11[%add3A_262, %broadcast_in_dim3A_399], %gather3A_397 : memref<512x80xf32, #tpu.memory_space<vmem>>[vector<16xi32>, vector<16xi32>], vector<16xf32>,
      %add3A_400 = arith.constant 1 : i32
      %add3A_401 = vector.broadcast %add3A_400 : i32 to vector<16xi32>
      %add3A_402 = arith.addi %add3A_393, %add3A_401 : vector<16xi32>
      %gather3A_403 = tpu.vector_load_idx %arg9[%add3A_402] : memref<16384xf32, #tpu.memory_space<vmem>>[vector<16xi32>], vector<16xf32>,
      %broadcast_in_dim3A_404 = arith.constant 33 : i32
      %broadcast_in_dim3A_405 = vector.broadcast %broadcast_in_dim3A_404 : i32 to vector<16xi32>
      tpu.vector_store_idx %arg11[%add3A_262, %broadcast_in_dim3A_405], %gather3A_403 : memref<512x80xf32, #tpu.memory_space<vmem>>[vector<16xi32>, vector<16xi32>], vector<16xf32>,
      %add3A_406 = arith.constant 2 : i32
      %add3A_407 = vector.broadcast %add3A_406 : i32 to vector<16xi32>
      %add3A_408 = arith.addi %add3A_393, %add3A_407 : vector<16xi32>
      %gather3A_409 = tpu.vector_load_idx %arg9[%add3A_408] : memref<16384xf32, #tpu.memory_space<vmem>>[vector<16xi32>], vector<16xf32>,
      %broadcast_in_dim3A_410 = arith.constant 34 : i32
      %broadcast_in_dim3A_411 = vector.broadcast %broadcast_in_dim3A_410 : i32 to vector<16xi32>
      tpu.vector_store_idx %arg11[%add3A_262, %broadcast_in_dim3A_411], %gather3A_409 : memref<512x80xf32, #tpu.memory_space<vmem>>[vector<16xi32>, vector<16xi32>], vector<16xf32>,
      %add3A_412 = arith.constant 3 : i32
      %add3A_413 = vector.broadcast %add3A_412 : i32 to vector<16xi32>
      %add3A_414 = arith.addi %add3A_393, %add3A_413 : vector<16xi32>
      %gather3A_415 = tpu.vector_load_idx %arg9[%add3A_414] : memref<16384xf32, #tpu.memory_space<vmem>>[vector<16xi32>], vector<16xf32>,
      %broadcast_in_dim3A_416 = arith.constant 35 : i32
      %broadcast_in_dim3A_417 = vector.broadcast %broadcast_in_dim3A_416 : i32 to vector<16xi32>
      tpu.vector_store_idx %arg11[%add3A_262, %broadcast_in_dim3A_417], %gather3A_415 : memref<512x80xf32, #tpu.memory_space<vmem>>[vector<16xi32>, vector<16xi32>], vector<16xf32>,
      %add3A_418 = arith.constant 4 : i32
      %add3A_419 = vector.broadcast %add3A_418 : i32 to vector<16xi32>
      %add3A_420 = arith.addi %add3A_393, %add3A_419 : vector<16xi32>
      %gather3A_421 = tpu.vector_load_idx %arg9[%add3A_420] : memref<16384xf32, #tpu.memory_space<vmem>>[vector<16xi32>], vector<16xf32>,
      %broadcast_in_dim3A_422 = arith.constant 36 : i32
      %broadcast_in_dim3A_423 = vector.broadcast %broadcast_in_dim3A_422 : i32 to vector<16xi32>
      tpu.vector_store_idx %arg11[%add3A_262, %broadcast_in_dim3A_423], %gather3A_421 : memref<512x80xf32, #tpu.memory_space<vmem>>[vector<16xi32>, vector<16xi32>], vector<16xf32>,
      %add3A_424 = arith.constant 5 : i32
      %add3A_425 = vector.broadcast %add3A_424 : i32 to vector<16xi32>
      %add3A_426 = arith.addi %add3A_393, %add3A_425 : vector<16xi32>
      %gather3A_427 = tpu.vector_load_idx %arg9[%add3A_426] : memref<16384xf32, #tpu.memory_space<vmem>>[vector<16xi32>], vector<16xf32>,
      %broadcast_in_dim3A_428 = arith.constant 37 : i32
      %broadcast_in_dim3A_429 = vector.broadcast %broadcast_in_dim3A_428 : i32 to vector<16xi32>
      tpu.vector_store_idx %arg11[%add3A_262, %broadcast_in_dim3A_429], %gather3A_427 : memref<512x80xf32, #tpu.memory_space<vmem>>[vector<16xi32>, vector<16xi32>], vector<16xf32>,
      %add3A_430 = arith.constant 6 : i32
      %add3A_431 = vector.broadcast %add3A_430 : i32 to vector<16xi32>
      %add3A_432 = arith.addi %add3A_393, %add3A_431 : vector<16xi32>
      %gather3A_433 = tpu.vector_load_idx %arg9[%add3A_432] : memref<16384xf32, #tpu.memory_space<vmem>>[vector<16xi32>], vector<16xf32>,
      %broadcast_in_dim3A_434 = arith.constant 38 : i32
      %broadcast_in_dim3A_435 = vector.broadcast %broadcast_in_dim3A_434 : i32 to vector<16xi32>
      tpu.vector_store_idx %arg11[%add3A_262, %broadcast_in_dim3A_435], %gather3A_433 : memref<512x80xf32, #tpu.memory_space<vmem>>[vector<16xi32>, vector<16xi32>], vector<16xf32>,
      %add3A_436 = arith.constant 7 : i32
      %add3A_437 = vector.broadcast %add3A_436 : i32 to vector<16xi32>
      %add3A_438 = arith.addi %add3A_393, %add3A_437 : vector<16xi32>
      %gather3A_439 = tpu.vector_load_idx %arg9[%add3A_438] : memref<16384xf32, #tpu.memory_space<vmem>>[vector<16xi32>], vector<16xf32>,
      %broadcast_in_dim3A_440 = arith.constant 39 : i32
      %broadcast_in_dim3A_441 = vector.broadcast %broadcast_in_dim3A_440 : i32 to vector<16xi32>
      tpu.vector_store_idx %arg11[%add3A_262, %broadcast_in_dim3A_441], %gather3A_439 : memref<512x80xf32, #tpu.memory_space<vmem>>[vector<16xi32>, vector<16xi32>], vector<16xf32>,
      %add3A_442 = arith.constant 8 : i32
      %add3A_443 = vector.broadcast %add3A_442 : i32 to vector<16xi32>
      %add3A_444 = arith.addi %add3A_393, %add3A_443 : vector<16xi32>
      %gather3A_445 = tpu.vector_load_idx %arg9[%add3A_444] : memref<16384xf32, #tpu.memory_space<vmem>>[vector<16xi32>], vector<16xf32>,
      %broadcast_in_dim3A_446 = arith.constant 40 : i32
      %broadcast_in_dim3A_447 = vector.broadcast %broadcast_in_dim3A_446 : i32 to vector<16xi32>
      tpu.vector_store_idx %arg11[%add3A_262, %broadcast_in_dim3A_447], %gather3A_445 : memref<512x80xf32, #tpu.memory_space<vmem>>[vector<16xi32>, vector<16xi32>], vector<16xf32>,
      %add3A_448 = arith.constant 9 : i32
      %add3A_449 = vector.broadcast %add3A_448 : i32 to vector<16xi32>
      %add3A_450 = arith.addi %add3A_393, %add3A_449 : vector<16xi32>
      %gather3A_451 = tpu.vector_load_idx %arg9[%add3A_450] : memref<16384xf32, #tpu.memory_space<vmem>>[vector<16xi32>], vector<16xf32>,
      %broadcast_in_dim3A_452 = arith.constant 41 : i32
      %broadcast_in_dim3A_453 = vector.broadcast %broadcast_in_dim3A_452 : i32 to vector<16xi32>
      tpu.vector_store_idx %arg11[%add3A_262, %broadcast_in_dim3A_453], %gather3A_451 : memref<512x80xf32, #tpu.memory_space<vmem>>[vector<16xi32>, vector<16xi32>], vector<16xf32>,
      %add3A_454 = arith.constant 10 : i32
      %add3A_455 = vector.broadcast %add3A_454 : i32 to vector<16xi32>
      %add3A_456 = arith.addi %add3A_393, %add3A_455 : vector<16xi32>
      %gather3A_457 = tpu.vector_load_idx %arg9[%add3A_456] : memref<16384xf32, #tpu.memory_space<vmem>>[vector<16xi32>], vector<16xf32>,
      %broadcast_in_dim3A_458 = arith.constant 42 : i32
      %broadcast_in_dim3A_459 = vector.broadcast %broadcast_in_dim3A_458 : i32 to vector<16xi32>
      tpu.vector_store_idx %arg11[%add3A_262, %broadcast_in_dim3A_459], %gather3A_457 : memref<512x80xf32, #tpu.memory_space<vmem>>[vector<16xi32>, vector<16xi32>], vector<16xf32>,
      %add3A_460 = arith.constant 11 : i32
      %add3A_461 = vector.broadcast %add3A_460 : i32 to vector<16xi32>
      %add3A_462 = arith.addi %add3A_393, %add3A_461 : vector<16xi32>
      %gather3A_463 = tpu.vector_load_idx %arg9[%add3A_462] : memref<16384xf32, #tpu.memory_space<vmem>>[vector<16xi32>], vector<16xf32>,
      %broadcast_in_dim3A_464 = arith.constant 43 : i32
      %broadcast_in_dim3A_465 = vector.broadcast %broadcast_in_dim3A_464 : i32 to vector<16xi32>
      tpu.vector_store_idx %arg11[%add3A_262, %broadcast_in_dim3A_465], %gather3A_463 : memref<512x80xf32, #tpu.memory_space<vmem>>[vector<16xi32>, vector<16xi32>], vector<16xf32>,
      %add3A_466 = arith.constant 12 : i32
      %add3A_467 = vector.broadcast %add3A_466 : i32 to vector<16xi32>
      %add3A_468 = arith.addi %add3A_393, %add3A_467 : vector<16xi32>
      %gather3A_469 = tpu.vector_load_idx %arg9[%add3A_468] : memref<16384xf32, #tpu.memory_space<vmem>>[vector<16xi32>], vector<16xf32>,
      %broadcast_in_dim3A_470 = arith.constant 44 : i32
      %broadcast_in_dim3A_471 = vector.broadcast %broadcast_in_dim3A_470 : i32 to vector<16xi32>
      tpu.vector_store_idx %arg11[%add3A_262, %broadcast_in_dim3A_471], %gather3A_469 : memref<512x80xf32, #tpu.memory_space<vmem>>[vector<16xi32>, vector<16xi32>], vector<16xf32>,
      %add3A_472 = arith.constant 13 : i32
      %add3A_473 = vector.broadcast %add3A_472 : i32 to vector<16xi32>
      %add3A_474 = arith.addi %add3A_393, %add3A_473 : vector<16xi32>
      %gather3A_475 = tpu.vector_load_idx %arg9[%add3A_474] : memref<16384xf32, #tpu.memory_space<vmem>>[vector<16xi32>], vector<16xf32>,
      %broadcast_in_dim3A_476 = arith.constant 45 : i32
      %broadcast_in_dim3A_477 = vector.broadcast %broadcast_in_dim3A_476 : i32 to vector<16xi32>
      tpu.vector_store_idx %arg11[%add3A_262, %broadcast_in_dim3A_477], %gather3A_475 : memref<512x80xf32, #tpu.memory_space<vmem>>[vector<16xi32>, vector<16xi32>], vector<16xf32>,
      %add3A_478 = arith.constant 14 : i32
      %add3A_479 = vector.broadcast %add3A_478 : i32 to vector<16xi32>
      %add3A_480 = arith.addi %add3A_393, %add3A_479 : vector<16xi32>
      %gather3A_481 = tpu.vector_load_idx %arg9[%add3A_480] : memref<16384xf32, #tpu.memory_space<vmem>>[vector<16xi32>], vector<16xf32>,
      %broadcast_in_dim3A_482 = arith.constant 46 : i32
      %broadcast_in_dim3A_483 = vector.broadcast %broadcast_in_dim3A_482 : i32 to vector<16xi32>
      tpu.vector_store_idx %arg11[%add3A_262, %broadcast_in_dim3A_483], %gather3A_481 : memref<512x80xf32, #tpu.memory_space<vmem>>[vector<16xi32>, vector<16xi32>], vector<16xf32>,
      %add3A_484 = arith.constant 15 : i32
      %add3A_485 = vector.broadcast %add3A_484 : i32 to vector<16xi32>
      %add3A_486 = arith.addi %add3A_393, %add3A_485 : vector<16xi32>
      %gather3A_487 = tpu.vector_load_idx %arg9[%add3A_486] : memref<16384xf32, #tpu.memory_space<vmem>>[vector<16xi32>], vector<16xf32>,
      %broadcast_in_dim3A_488 = arith.constant 47 : i32
      %broadcast_in_dim3A_489 = vector.broadcast %broadcast_in_dim3A_488 : i32 to vector<16xi32>
      tpu.vector_store_idx %arg11[%add3A_262, %broadcast_in_dim3A_489], %gather3A_487 : memref<512x80xf32, #tpu.memory_space<vmem>>[vector<16xi32>, vector<16xi32>], vector<16xf32>,
      %mul3A_490 = arith.constant 16 : i32
      %mul3A_491 = arith.muli %scan3A_257, %mul3A_490 : i32
      %get3A_492 = arith.constant 2 : i32
      %get3A_493 = arith.index_cast %get3A_492 : i32 to index
      %get3A_494 = arith.index_cast %mul3A_491 : i32 to index
      %get3A_495 = tpu.vector_load %arg8[%get3A_493, %get3A_494] {strides = array<i32>} : memref<4x512xi32, #tpu.memory_space<vmem>>, vector<16xi32>,
      %jit3A_496 = arith.constant 0 : i32
      %jit3A_497 = arith.constant 255 : i32
      %max3A_498 = vector.broadcast %jit3A_496 : i32 to vector<16xi32>
      %max3A_499 = arith.maxsi %max3A_498, %get3A_495 : vector<16xi32>
      %min3A_500 = vector.broadcast %jit3A_497 : i32 to vector<16xi32>
      %min3A_501 = arith.minsi %min3A_500, %max3A_499 : vector<16xi32>
      %mul3A_502 = arith.constant 16 : i32
      %mul3A_503 = vector.broadcast %mul3A_502 : i32 to vector<16xi32>
      %mul3A_504 = arith.muli %min3A_501, %mul3A_503 : vector<16xi32>
      %add3A_505 = arith.constant 8192 : i32
      %add3A_506 = vector.broadcast %add3A_505 : i32 to vector<16xi32>
      %add3A_507 = arith.addi %mul3A_504, %add3A_506 : vector<16xi32>
      %add3A_508 = arith.constant 0 : i32
      %add3A_509 = vector.broadcast %add3A_508 : i32 to vector<16xi32>
      %add3A_510 = arith.addi %add3A_507, %add3A_509 : vector<16xi32>
      %gather3A_511 = tpu.vector_load_idx %arg9[%add3A_510] : memref<16384xf32, #tpu.memory_space<vmem>>[vector<16xi32>], vector<16xf32>,
      %broadcast_in_dim3A_512 = arith.constant 48 : i32
      %broadcast_in_dim3A_513 = vector.broadcast %broadcast_in_dim3A_512 : i32 to vector<16xi32>
      tpu.vector_store_idx %arg11[%add3A_262, %broadcast_in_dim3A_513], %gather3A_511 : memref<512x80xf32, #tpu.memory_space<vmem>>[vector<16xi32>, vector<16xi32>], vector<16xf32>,
      %add3A_514 = arith.constant 1 : i32
      %add3A_515 = vector.broadcast %add3A_514 : i32 to vector<16xi32>
      %add3A_516 = arith.addi %add3A_507, %add3A_515 : vector<16xi32>
      %gather3A_517 = tpu.vector_load_idx %arg9[%add3A_516] : memref<16384xf32, #tpu.memory_space<vmem>>[vector<16xi32>], vector<16xf32>,
      %broadcast_in_dim3A_518 = arith.constant 49 : i32
      %broadcast_in_dim3A_519 = vector.broadcast %broadcast_in_dim3A_518 : i32 to vector<16xi32>
      tpu.vector_store_idx %arg11[%add3A_262, %broadcast_in_dim3A_519], %gather3A_517 : memref<512x80xf32, #tpu.memory_space<vmem>>[vector<16xi32>, vector<16xi32>], vector<16xf32>,
      %add3A_520 = arith.constant 2 : i32
      %add3A_521 = vector.broadcast %add3A_520 : i32 to vector<16xi32>
      %add3A_522 = arith.addi %add3A_507, %add3A_521 : vector<16xi32>
      %gather3A_523 = tpu.vector_load_idx %arg9[%add3A_522] : memref<16384xf32, #tpu.memory_space<vmem>>[vector<16xi32>], vector<16xf32>,
      %broadcast_in_dim3A_524 = arith.constant 50 : i32
      %broadcast_in_dim3A_525 = vector.broadcast %broadcast_in_dim3A_524 : i32 to vector<16xi32>
      tpu.vector_store_idx %arg11[%add3A_262, %broadcast_in_dim3A_525], %gather3A_523 : memref<512x80xf32, #tpu.memory_space<vmem>>[vector<16xi32>, vector<16xi32>], vector<16xf32>,
      %add3A_526 = arith.constant 3 : i32
      %add3A_527 = vector.broadcast %add3A_526 : i32 to vector<16xi32>
      %add3A_528 = arith.addi %add3A_507, %add3A_527 : vector<16xi32>
      %gather3A_529 = tpu.vector_load_idx %arg9[%add3A_528] : memref<16384xf32, #tpu.memory_space<vmem>>[vector<16xi32>], vector<16xf32>,
      %broadcast_in_dim3A_530 = arith.constant 51 : i32
      %broadcast_in_dim3A_531 = vector.broadcast %broadcast_in_dim3A_530 : i32 to vector<16xi32>
      tpu.vector_store_idx %arg11[%add3A_262, %broadcast_in_dim3A_531], %gather3A_529 : memref<512x80xf32, #tpu.memory_space<vmem>>[vector<16xi32>, vector<16xi32>], vector<16xf32>,
      %add3A_532 = arith.constant 4 : i32
      %add3A_533 = vector.broadcast %add3A_532 : i32 to vector<16xi32>
      %add3A_534 = arith.addi %add3A_507, %add3A_533 : vector<16xi32>
      %gather3A_535 = tpu.vector_load_idx %arg9[%add3A_534] : memref<16384xf32, #tpu.memory_space<vmem>>[vector<16xi32>], vector<16xf32>,
      %broadcast_in_dim3A_536 = arith.constant 52 : i32
      %broadcast_in_dim3A_537 = vector.broadcast %broadcast_in_dim3A_536 : i32 to vector<16xi32>
      tpu.vector_store_idx %arg11[%add3A_262, %broadcast_in_dim3A_537], %gather3A_535 : memref<512x80xf32, #tpu.memory_space<vmem>>[vector<16xi32>, vector<16xi32>], vector<16xf32>,
      %add3A_538 = arith.constant 5 : i32
      %add3A_539 = vector.broadcast %add3A_538 : i32 to vector<16xi32>
      %add3A_540 = arith.addi %add3A_507, %add3A_539 : vector<16xi32>
      %gather3A_541 = tpu.vector_load_idx %arg9[%add3A_540] : memref<16384xf32, #tpu.memory_space<vmem>>[vector<16xi32>], vector<16xf32>,
      %broadcast_in_dim3A_542 = arith.constant 53 : i32
      %broadcast_in_dim3A_543 = vector.broadcast %broadcast_in_dim3A_542 : i32 to vector<16xi32>
      tpu.vector_store_idx %arg11[%add3A_262, %broadcast_in_dim3A_543], %gather3A_541 : memref<512x80xf32, #tpu.memory_space<vmem>>[vector<16xi32>, vector<16xi32>], vector<16xf32>,
      %add3A_544 = arith.constant 6 : i32
      %add3A_545 = vector.broadcast %add3A_544 : i32 to vector<16xi32>
      %add3A_546 = arith.addi %add3A_507, %add3A_545 : vector<16xi32>
      %gather3A_547 = tpu.vector_load_idx %arg9[%add3A_546] : memref<16384xf32, #tpu.memory_space<vmem>>[vector<16xi32>], vector<16xf32>,
      %broadcast_in_dim3A_548 = arith.constant 54 : i32
      %broadcast_in_dim3A_549 = vector.broadcast %broadcast_in_dim3A_548 : i32 to vector<16xi32>
      tpu.vector_store_idx %arg11[%add3A_262, %broadcast_in_dim3A_549], %gather3A_547 : memref<512x80xf32, #tpu.memory_space<vmem>>[vector<16xi32>, vector<16xi32>], vector<16xf32>,
      %add3A_550 = arith.constant 7 : i32
      %add3A_551 = vector.broadcast %add3A_550 : i32 to vector<16xi32>
      %add3A_552 = arith.addi %add3A_507, %add3A_551 : vector<16xi32>
      %gather3A_553 = tpu.vector_load_idx %arg9[%add3A_552] : memref<16384xf32, #tpu.memory_space<vmem>>[vector<16xi32>], vector<16xf32>,
      %broadcast_in_dim3A_554 = arith.constant 55 : i32
      %broadcast_in_dim3A_555 = vector.broadcast %broadcast_in_dim3A_554 : i32 to vector<16xi32>
      tpu.vector_store_idx %arg11[%add3A_262, %broadcast_in_dim3A_555], %gather3A_553 : memref<512x80xf32, #tpu.memory_space<vmem>>[vector<16xi32>, vector<16xi32>], vector<16xf32>,
      %add3A_556 = arith.constant 8 : i32
      %add3A_557 = vector.broadcast %add3A_556 : i32 to vector<16xi32>
      %add3A_558 = arith.addi %add3A_507, %add3A_557 : vector<16xi32>
      %gather3A_559 = tpu.vector_load_idx %arg9[%add3A_558] : memref<16384xf32, #tpu.memory_space<vmem>>[vector<16xi32>], vector<16xf32>,
      %broadcast_in_dim3A_560 = arith.constant 56 : i32
      %broadcast_in_dim3A_561 = vector.broadcast %broadcast_in_dim3A_560 : i32 to vector<16xi32>
      tpu.vector_store_idx %arg11[%add3A_262, %broadcast_in_dim3A_561], %gather3A_559 : memref<512x80xf32, #tpu.memory_space<vmem>>[vector<16xi32>, vector<16xi32>], vector<16xf32>,
      %add3A_562 = arith.constant 9 : i32
      %add3A_563 = vector.broadcast %add3A_562 : i32 to vector<16xi32>
      %add3A_564 = arith.addi %add3A_507, %add3A_563 : vector<16xi32>
      %gather3A_565 = tpu.vector_load_idx %arg9[%add3A_564] : memref<16384xf32, #tpu.memory_space<vmem>>[vector<16xi32>], vector<16xf32>,
      %broadcast_in_dim3A_566 = arith.constant 57 : i32
      %broadcast_in_dim3A_567 = vector.broadcast %broadcast_in_dim3A_566 : i32 to vector<16xi32>
      tpu.vector_store_idx %arg11[%add3A_262, %broadcast_in_dim3A_567], %gather3A_565 : memref<512x80xf32, #tpu.memory_space<vmem>>[vector<16xi32>, vector<16xi32>], vector<16xf32>,
      %add3A_568 = arith.constant 10 : i32
      %add3A_569 = vector.broadcast %add3A_568 : i32 to vector<16xi32>
      %add3A_570 = arith.addi %add3A_507, %add3A_569 : vector<16xi32>
      %gather3A_571 = tpu.vector_load_idx %arg9[%add3A_570] : memref<16384xf32, #tpu.memory_space<vmem>>[vector<16xi32>], vector<16xf32>,
      %broadcast_in_dim3A_572 = arith.constant 58 : i32
      %broadcast_in_dim3A_573 = vector.broadcast %broadcast_in_dim3A_572 : i32 to vector<16xi32>
      tpu.vector_store_idx %arg11[%add3A_262, %broadcast_in_dim3A_573], %gather3A_571 : memref<512x80xf32, #tpu.memory_space<vmem>>[vector<16xi32>, vector<16xi32>], vector<16xf32>,
      %add3A_574 = arith.constant 11 : i32
      %add3A_575 = vector.broadcast %add3A_574 : i32 to vector<16xi32>
      %add3A_576 = arith.addi %add3A_507, %add3A_575 : vector<16xi32>
      %gather3A_577 = tpu.vector_load_idx %arg9[%add3A_576] : memref<16384xf32, #tpu.memory_space<vmem>>[vector<16xi32>], vector<16xf32>,
      %broadcast_in_dim3A_578 = arith.constant 59 : i32
      %broadcast_in_dim3A_579 = vector.broadcast %broadcast_in_dim3A_578 : i32 to vector<16xi32>
      tpu.vector_store_idx %arg11[%add3A_262, %broadcast_in_dim3A_579], %gather3A_577 : memref<512x80xf32, #tpu.memory_space<vmem>>[vector<16xi32>, vector<16xi32>], vector<16xf32>,
      %add3A_580 = arith.constant 12 : i32
      %add3A_581 = vector.broadcast %add3A_580 : i32 to vector<16xi32>
      %add3A_582 = arith.addi %add3A_507, %add3A_581 : vector<16xi32>
      %gather3A_583 = tpu.vector_load_idx %arg9[%add3A_582] : memref<16384xf32, #tpu.memory_space<vmem>>[vector<16xi32>], vector<16xf32>,
      %broadcast_in_dim3A_584 = arith.constant 60 : i32
      %broadcast_in_dim3A_585 = vector.broadcast %broadcast_in_dim3A_584 : i32 to vector<16xi32>
      tpu.vector_store_idx %arg11[%add3A_262, %broadcast_in_dim3A_585], %gather3A_583 : memref<512x80xf32, #tpu.memory_space<vmem>>[vector<16xi32>, vector<16xi32>], vector<16xf32>,
      %add3A_586 = arith.constant 13 : i32
      %add3A_587 = vector.broadcast %add3A_586 : i32 to vector<16xi32>
      %add3A_588 = arith.addi %add3A_507, %add3A_587 : vector<16xi32>
      %gather3A_589 = tpu.vector_load_idx %arg9[%add3A_588] : memref<16384xf32, #tpu.memory_space<vmem>>[vector<16xi32>], vector<16xf32>,
      %broadcast_in_dim3A_590 = arith.constant 61 : i32
      %broadcast_in_dim3A_591 = vector.broadcast %broadcast_in_dim3A_590 : i32 to vector<16xi32>
      tpu.vector_store_idx %arg11[%add3A_262, %broadcast_in_dim3A_591], %gather3A_589 : memref<512x80xf32, #tpu.memory_space<vmem>>[vector<16xi32>, vector<16xi32>], vector<16xf32>,
      %add3A_592 = arith.constant 14 : i32
      %add3A_593 = vector.broadcast %add3A_592 : i32 to vector<16xi32>
      %add3A_594 = arith.addi %add3A_507, %add3A_593 : vector<16xi32>
      %gather3A_595 = tpu.vector_load_idx %arg9[%add3A_594] : memref<16384xf32, #tpu.memory_space<vmem>>[vector<16xi32>], vector<16xf32>,
      %broadcast_in_dim3A_596 = arith.constant 62 : i32
      %broadcast_in_dim3A_597 = vector.broadcast %broadcast_in_dim3A_596 : i32 to vector<16xi32>
      tpu.vector_store_idx %arg11[%add3A_262, %broadcast_in_dim3A_597], %gather3A_595 : memref<512x80xf32, #tpu.memory_space<vmem>>[vector<16xi32>, vector<16xi32>], vector<16xf32>,
      %add3A_598 = arith.constant 15 : i32
      %add3A_599 = vector.broadcast %add3A_598 : i32 to vector<16xi32>
      %add3A_600 = arith.addi %add3A_507, %add3A_599 : vector<16xi32>
      %gather3A_601 = tpu.vector_load_idx %arg9[%add3A_600] : memref<16384xf32, #tpu.memory_space<vmem>>[vector<16xi32>], vector<16xf32>,
      %broadcast_in_dim3A_602 = arith.constant 63 : i32
      %broadcast_in_dim3A_603 = vector.broadcast %broadcast_in_dim3A_602 : i32 to vector<16xi32>
      tpu.vector_store_idx %arg11[%add3A_262, %broadcast_in_dim3A_603], %gather3A_601 : memref<512x80xf32, #tpu.memory_space<vmem>>[vector<16xi32>, vector<16xi32>], vector<16xf32>,
      %mul3A_604 = arith.constant 16 : i32
      %mul3A_605 = arith.muli %scan3A_257, %mul3A_604 : i32
      %get3A_606 = arith.constant 3 : i32
      %get3A_607 = arith.index_cast %get3A_606 : i32 to index
      %get3A_608 = arith.index_cast %mul3A_605 : i32 to index
      %get3A_609 = tpu.vector_load %arg8[%get3A_607, %get3A_608] {strides = array<i32>} : memref<4x512xi32, #tpu.memory_space<vmem>>, vector<16xi32>,
      %jit3A_610 = arith.constant 0 : i32
      %jit3A_611 = arith.constant 255 : i32
      %max3A_612 = vector.broadcast %jit3A_610 : i32 to vector<16xi32>
      %max3A_613 = arith.maxsi %max3A_612, %get3A_609 : vector<16xi32>
      %min3A_614 = vector.broadcast %jit3A_611 : i32 to vector<16xi32>
      %min3A_615 = arith.minsi %min3A_614, %max3A_613 : vector<16xi32>
      %mul3A_616 = arith.constant 16 : i32
      %mul3A_617 = vector.broadcast %mul3A_616 : i32 to vector<16xi32>
      %mul3A_618 = arith.muli %min3A_615, %mul3A_617 : vector<16xi32>
      %add3A_619 = arith.constant 12288 : i32
      %add3A_620 = vector.broadcast %add3A_619 : i32 to vector<16xi32>
      %add3A_621 = arith.addi %mul3A_618, %add3A_620 : vector<16xi32>
      %add3A_622 = arith.constant 0 : i32
      %add3A_623 = vector.broadcast %add3A_622 : i32 to vector<16xi32>
      %add3A_624 = arith.addi %add3A_621, %add3A_623 : vector<16xi32>
      %gather3A_625 = tpu.vector_load_idx %arg9[%add3A_624] : memref<16384xf32, #tpu.memory_space<vmem>>[vector<16xi32>], vector<16xf32>,
      %broadcast_in_dim3A_626 = arith.constant 64 : i32
      %broadcast_in_dim3A_627 = vector.broadcast %broadcast_in_dim3A_626 : i32 to vector<16xi32>
      tpu.vector_store_idx %arg11[%add3A_262, %broadcast_in_dim3A_627], %gather3A_625 : memref<512x80xf32, #tpu.memory_space<vmem>>[vector<16xi32>, vector<16xi32>], vector<16xf32>,
      %add3A_628 = arith.constant 1 : i32
      %add3A_629 = vector.broadcast %add3A_628 : i32 to vector<16xi32>
      %add3A_630 = arith.addi %add3A_621, %add3A_629 : vector<16xi32>
      %gather3A_631 = tpu.vector_load_idx %arg9[%add3A_630] : memref<16384xf32, #tpu.memory_space<vmem>>[vector<16xi32>], vector<16xf32>,
      %broadcast_in_dim3A_632 = arith.constant 65 : i32
      %broadcast_in_dim3A_633 = vector.broadcast %broadcast_in_dim3A_632 : i32 to vector<16xi32>
      tpu.vector_store_idx %arg11[%add3A_262, %broadcast_in_dim3A_633], %gather3A_631 : memref<512x80xf32, #tpu.memory_space<vmem>>[vector<16xi32>, vector<16xi32>], vector<16xf32>,
      %add3A_634 = arith.constant 2 : i32
      %add3A_635 = vector.broadcast %add3A_634 : i32 to vector<16xi32>
      %add3A_636 = arith.addi %add3A_621, %add3A_635 : vector<16xi32>
      %gather3A_637 = tpu.vector_load_idx %arg9[%add3A_636] : memref<16384xf32, #tpu.memory_space<vmem>>[vector<16xi32>], vector<16xf32>,
      %broadcast_in_dim3A_638 = arith.constant 66 : i32
      %broadcast_in_dim3A_639 = vector.broadcast %broadcast_in_dim3A_638 : i32 to vector<16xi32>
      tpu.vector_store_idx %arg11[%add3A_262, %broadcast_in_dim3A_639], %gather3A_637 : memref<512x80xf32, #tpu.memory_space<vmem>>[vector<16xi32>, vector<16xi32>], vector<16xf32>,
      %add3A_640 = arith.constant 3 : i32
      %add3A_641 = vector.broadcast %add3A_640 : i32 to vector<16xi32>
      %add3A_642 = arith.addi %add3A_621, %add3A_641 : vector<16xi32>
      %gather3A_643 = tpu.vector_load_idx %arg9[%add3A_642] : memref<16384xf32, #tpu.memory_space<vmem>>[vector<16xi32>], vector<16xf32>,
      %broadcast_in_dim3A_644 = arith.constant 67 : i32
      %broadcast_in_dim3A_645 = vector.broadcast %broadcast_in_dim3A_644 : i32 to vector<16xi32>
      tpu.vector_store_idx %arg11[%add3A_262, %broadcast_in_dim3A_645], %gather3A_643 : memref<512x80xf32, #tpu.memory_space<vmem>>[vector<16xi32>, vector<16xi32>], vector<16xf32>,
      %add3A_646 = arith.constant 4 : i32
      %add3A_647 = vector.broadcast %add3A_646 : i32 to vector<16xi32>
      %add3A_648 = arith.addi %add3A_621, %add3A_647 : vector<16xi32>
      %gather3A_649 = tpu.vector_load_idx %arg9[%add3A_648] : memref<16384xf32, #tpu.memory_space<vmem>>[vector<16xi32>], vector<16xf32>,
      %broadcast_in_dim3A_650 = arith.constant 68 : i32
      %broadcast_in_dim3A_651 = vector.broadcast %broadcast_in_dim3A_650 : i32 to vector<16xi32>
      tpu.vector_store_idx %arg11[%add3A_262, %broadcast_in_dim3A_651], %gather3A_649 : memref<512x80xf32, #tpu.memory_space<vmem>>[vector<16xi32>, vector<16xi32>], vector<16xf32>,
      %add3A_652 = arith.constant 5 : i32
      %add3A_653 = vector.broadcast %add3A_652 : i32 to vector<16xi32>
      %add3A_654 = arith.addi %add3A_621, %add3A_653 : vector<16xi32>
      %gather3A_655 = tpu.vector_load_idx %arg9[%add3A_654] : memref<16384xf32, #tpu.memory_space<vmem>>[vector<16xi32>], vector<16xf32>,
      %broadcast_in_dim3A_656 = arith.constant 69 : i32
      %broadcast_in_dim3A_657 = vector.broadcast %broadcast_in_dim3A_656 : i32 to vector<16xi32>
      tpu.vector_store_idx %arg11[%add3A_262, %broadcast_in_dim3A_657], %gather3A_655 : memref<512x80xf32, #tpu.memory_space<vmem>>[vector<16xi32>, vector<16xi32>], vector<16xf32>,
      %add3A_658 = arith.constant 6 : i32
      %add3A_659 = vector.broadcast %add3A_658 : i32 to vector<16xi32>
      %add3A_660 = arith.addi %add3A_621, %add3A_659 : vector<16xi32>
      %gather3A_661 = tpu.vector_load_idx %arg9[%add3A_660] : memref<16384xf32, #tpu.memory_space<vmem>>[vector<16xi32>], vector<16xf32>,
      %broadcast_in_dim3A_662 = arith.constant 70 : i32
      %broadcast_in_dim3A_663 = vector.broadcast %broadcast_in_dim3A_662 : i32 to vector<16xi32>
      tpu.vector_store_idx %arg11[%add3A_262, %broadcast_in_dim3A_663], %gather3A_661 : memref<512x80xf32, #tpu.memory_space<vmem>>[vector<16xi32>, vector<16xi32>], vector<16xf32>,
      %add3A_664 = arith.constant 7 : i32
      %add3A_665 = vector.broadcast %add3A_664 : i32 to vector<16xi32>
      %add3A_666 = arith.addi %add3A_621, %add3A_665 : vector<16xi32>
      %gather3A_667 = tpu.vector_load_idx %arg9[%add3A_666] : memref<16384xf32, #tpu.memory_space<vmem>>[vector<16xi32>], vector<16xf32>,
      %broadcast_in_dim3A_668 = arith.constant 71 : i32
      %broadcast_in_dim3A_669 = vector.broadcast %broadcast_in_dim3A_668 : i32 to vector<16xi32>
      tpu.vector_store_idx %arg11[%add3A_262, %broadcast_in_dim3A_669], %gather3A_667 : memref<512x80xf32, #tpu.memory_space<vmem>>[vector<16xi32>, vector<16xi32>], vector<16xf32>,
      %add3A_670 = arith.constant 8 : i32
      %add3A_671 = vector.broadcast %add3A_670 : i32 to vector<16xi32>
      %add3A_672 = arith.addi %add3A_621, %add3A_671 : vector<16xi32>
      %gather3A_673 = tpu.vector_load_idx %arg9[%add3A_672] : memref<16384xf32, #tpu.memory_space<vmem>>[vector<16xi32>], vector<16xf32>,
      %broadcast_in_dim3A_674 = arith.constant 72 : i32
      %broadcast_in_dim3A_675 = vector.broadcast %broadcast_in_dim3A_674 : i32 to vector<16xi32>
      tpu.vector_store_idx %arg11[%add3A_262, %broadcast_in_dim3A_675], %gather3A_673 : memref<512x80xf32, #tpu.memory_space<vmem>>[vector<16xi32>, vector<16xi32>], vector<16xf32>,
      %add3A_676 = arith.constant 9 : i32
      %add3A_677 = vector.broadcast %add3A_676 : i32 to vector<16xi32>
      %add3A_678 = arith.addi %add3A_621, %add3A_677 : vector<16xi32>
      %gather3A_679 = tpu.vector_load_idx %arg9[%add3A_678] : memref<16384xf32, #tpu.memory_space<vmem>>[vector<16xi32>], vector<16xf32>,
      %broadcast_in_dim3A_680 = arith.constant 73 : i32
      %broadcast_in_dim3A_681 = vector.broadcast %broadcast_in_dim3A_680 : i32 to vector<16xi32>
      tpu.vector_store_idx %arg11[%add3A_262, %broadcast_in_dim3A_681], %gather3A_679 : memref<512x80xf32, #tpu.memory_space<vmem>>[vector<16xi32>, vector<16xi32>], vector<16xf32>,
      %add3A_682 = arith.constant 10 : i32
      %add3A_683 = vector.broadcast %add3A_682 : i32 to vector<16xi32>
      %add3A_684 = arith.addi %add3A_621, %add3A_683 : vector<16xi32>
      %gather3A_685 = tpu.vector_load_idx %arg9[%add3A_684] : memref<16384xf32, #tpu.memory_space<vmem>>[vector<16xi32>], vector<16xf32>,
      %broadcast_in_dim3A_686 = arith.constant 74 : i32
      %broadcast_in_dim3A_687 = vector.broadcast %broadcast_in_dim3A_686 : i32 to vector<16xi32>
      tpu.vector_store_idx %arg11[%add3A_262, %broadcast_in_dim3A_687], %gather3A_685 : memref<512x80xf32, #tpu.memory_space<vmem>>[vector<16xi32>, vector<16xi32>], vector<16xf32>,
      %add3A_688 = arith.constant 11 : i32
      %add3A_689 = vector.broadcast %add3A_688 : i32 to vector<16xi32>
      %add3A_690 = arith.addi %add3A_621, %add3A_689 : vector<16xi32>
      %gather3A_691 = tpu.vector_load_idx %arg9[%add3A_690] : memref<16384xf32, #tpu.memory_space<vmem>>[vector<16xi32>], vector<16xf32>,
      %broadcast_in_dim3A_692 = arith.constant 75 : i32
      %broadcast_in_dim3A_693 = vector.broadcast %broadcast_in_dim3A_692 : i32 to vector<16xi32>
      tpu.vector_store_idx %arg11[%add3A_262, %broadcast_in_dim3A_693], %gather3A_691 : memref<512x80xf32, #tpu.memory_space<vmem>>[vector<16xi32>, vector<16xi32>], vector<16xf32>,
      %add3A_694 = arith.constant 12 : i32
      %add3A_695 = vector.broadcast %add3A_694 : i32 to vector<16xi32>
      %add3A_696 = arith.addi %add3A_621, %add3A_695 : vector<16xi32>
      %gather3A_697 = tpu.vector_load_idx %arg9[%add3A_696] : memref<16384xf32, #tpu.memory_space<vmem>>[vector<16xi32>], vector<16xf32>,
      %broadcast_in_dim3A_698 = arith.constant 76 : i32
      %broadcast_in_dim3A_699 = vector.broadcast %broadcast_in_dim3A_698 : i32 to vector<16xi32>
      tpu.vector_store_idx %arg11[%add3A_262, %broadcast_in_dim3A_699], %gather3A_697 : memref<512x80xf32, #tpu.memory_space<vmem>>[vector<16xi32>, vector<16xi32>], vector<16xf32>,
      %add3A_700 = arith.constant 13 : i32
      %add3A_701 = vector.broadcast %add3A_700 : i32 to vector<16xi32>
      %add3A_702 = arith.addi %add3A_621, %add3A_701 : vector<16xi32>
      %gather3A_703 = tpu.vector_load_idx %arg9[%add3A_702] : memref<16384xf32, #tpu.memory_space<vmem>>[vector<16xi32>], vector<16xf32>,
      %broadcast_in_dim3A_704 = arith.constant 77 : i32
      %broadcast_in_dim3A_705 = vector.broadcast %broadcast_in_dim3A_704 : i32 to vector<16xi32>
      tpu.vector_store_idx %arg11[%add3A_262, %broadcast_in_dim3A_705], %gather3A_703 : memref<512x80xf32, #tpu.memory_space<vmem>>[vector<16xi32>, vector<16xi32>], vector<16xf32>,
      %add3A_706 = arith.constant 14 : i32
      %add3A_707 = vector.broadcast %add3A_706 : i32 to vector<16xi32>
      %add3A_708 = arith.addi %add3A_621, %add3A_707 : vector<16xi32>
      %gather3A_709 = tpu.vector_load_idx %arg9[%add3A_708] : memref<16384xf32, #tpu.memory_space<vmem>>[vector<16xi32>], vector<16xf32>,
      %broadcast_in_dim3A_710 = arith.constant 78 : i32
      %broadcast_in_dim3A_711 = vector.broadcast %broadcast_in_dim3A_710 : i32 to vector<16xi32>
      tpu.vector_store_idx %arg11[%add3A_262, %broadcast_in_dim3A_711], %gather3A_709 : memref<512x80xf32, #tpu.memory_space<vmem>>[vector<16xi32>, vector<16xi32>], vector<16xf32>,
      %add3A_712 = arith.constant 15 : i32
      %add3A_713 = vector.broadcast %add3A_712 : i32 to vector<16xi32>
      %add3A_714 = arith.addi %add3A_621, %add3A_713 : vector<16xi32>
      %gather3A_715 = tpu.vector_load_idx %arg9[%add3A_714] : memref<16384xf32, #tpu.memory_space<vmem>>[vector<16xi32>], vector<16xf32>,
      %broadcast_in_dim3A_716 = arith.constant 79 : i32
      %broadcast_in_dim3A_717 = vector.broadcast %broadcast_in_dim3A_716 : i32 to vector<16xi32>
      tpu.vector_store_idx %arg11[%add3A_262, %broadcast_in_dim3A_717], %gather3A_715 : memref<512x80xf32, #tpu.memory_space<vmem>>[vector<16xi32>, vector<16xi32>], vector<16xf32>,
      %scan3A_718 = arith.constant 0 : i32
      scf.yield %scan3A_718 : i32
    }
    %scan3A_256 = arith.constant 32 : i32
    "tpu.region"() ({
      %run_scoped3A = tpu.sem_alloc : memref<!tpu.dma_semaphore, #tpu.memory_space<semaphore_mem>>
      %dma_start3A_257 = arith.constant 0 : i32
      %dma_start3A_258 = tpu.memref_slice %arg6[%mul3A_2, %dma_start3A_257] : memref<16384x80xf32, #tpu.memory_space<hbm>> -> memref<512x80xf32, #tpu.memory_space<hbm>>
      %dma_start3A_259 = arith.constant 0 : i32
      %dma_start3A_260 = tpu.memref_slice %arg6[%mul3A_2, %dma_start3A_259] : memref<16384x80xf32, #tpu.memory_space<hbm>> -> memref<512x80xf32, #tpu.memory_space<hbm>>
      tpu.enqueue_dma source(%arg11 : memref<512x80xf32, #tpu.memory_space<vmem>>) target(%dma_start3A_260 : memref<512x80xf32, #tpu.memory_space<hbm>>) target_semaphore(%run_scoped3A : memref<!tpu.dma_semaphore, #tpu.memory_space<semaphore_mem>>)
      %dma_wait3A = arith.constant 0 : i32
      %dma_wait3A_261 = tpu.memref_slice %arg6[%mul3A_2, %dma_wait3A] : memref<16384x80xf32, #tpu.memory_space<hbm>> -> memref<512x80xf32, #tpu.memory_space<hbm>>
      %dma_wait3A_262 = arith.constant 0 : i32
      %dma_wait3A_263 = tpu.memref_slice %arg6[%mul3A_2, %dma_wait3A_262] : memref<16384x80xf32, #tpu.memory_space<hbm>> -> memref<512x80xf32, #tpu.memory_space<hbm>>
      tpu.wait_dma2 semaphore(%run_scoped3A : memref<!tpu.dma_semaphore, #tpu.memory_space<semaphore_mem>>) src(%arg11 : memref<512x80xf32, #tpu.memory_space<vmem>>) dst(%dma_wait3A_263 : memref<512x80xf32, #tpu.memory_space<hbm>>)
      tpu.yield
    }) : () -> ()
    return
  }
}

module attributes {stable_mosaic.version = 14 : i64} {
  func.func @_mlp_body(%arg0: i32, %arg1: memref<2048x80xf32, #tpu.memory_space<vmem>>, %arg2: memref<160x128xf32, #tpu.memory_space<vmem>>, %arg3: memref<1x128xf32, #tpu.memory_space<vmem>>, %arg4: memref<128x64xf32, #tpu.memory_space<vmem>>, %arg5: memref<1x64xf32, #tpu.memory_space<vmem>>, %arg6: memref<1x64xf32, #tpu.memory_space<vmem>>, %arg7: memref<1x1xf32, #tpu.memory_space<vmem>>, %arg8: memref<2048x1xf32, #tpu.memory_space<vmem>>) attributes {dimension_semantics = [#tpu.dimension_semantics<arbitrary>], iteration_bounds = array<i64: 8>, scalar_prefetch = 0 : i64, scratch_operands = 0 : i64, tpu.core_type = #tpu.core_type<tc>, window_params = [{transform_indices = @transform_0, window_bounds = array<i64: 2048, 80>}, {pipeline_mode = #tpu.pipeline_mode<synchronous>, transform_indices = @transform_1, window_bounds = array<i64: 160, 128>}, {pipeline_mode = #tpu.pipeline_mode<synchronous>, transform_indices = @transform_2, window_bounds = array<i64: 1, 128>}, {pipeline_mode = #tpu.pipeline_mode<synchronous>, transform_indices = @transform_3, window_bounds = array<i64: 128, 64>}, {pipeline_mode = #tpu.pipeline_mode<synchronous>, transform_indices = @transform_4, window_bounds = array<i64: 1, 64>}, {pipeline_mode = #tpu.pipeline_mode<synchronous>, transform_indices = @transform_5, window_bounds = array<i64: 1, 64>}, {pipeline_mode = #tpu.pipeline_mode<synchronous>, transform_indices = @transform_6, window_bounds = array<i64: 1, 1>}, {transform_indices = @transform_7, window_bounds = array<i64: 2048, 1>}]} {
    %get3A = arith.constant 0 : index
    %get3A_0 = arith.constant 0 : index
    %get3A_1 = vector.load %arg1[%get3A, %get3A_0] : memref<2048x80xf32, #tpu.memory_space<vmem>>, vector<2048x80xf32>
    %slice3A = vector.extract_strided_slice %get3A_1 {offsets = [0, 0], sizes = [2048, 16], strides = [1, 1]} : vector<2048x80xf32> to vector<2048x16xf32>
    %slice3A_2 = vector.extract_strided_slice %get3A_1 {offsets = [0, 16], sizes = [2048, 16], strides = [1, 1]} : vector<2048x80xf32> to vector<2048x16xf32>
    %slice3A_3 = vector.extract_strided_slice %get3A_1 {offsets = [0, 32], sizes = [2048, 16], strides = [1, 1]} : vector<2048x80xf32> to vector<2048x16xf32>
    %slice3A_4 = vector.extract_strided_slice %get3A_1 {offsets = [0, 48], sizes = [2048, 16], strides = [1, 1]} : vector<2048x80xf32> to vector<2048x16xf32>
    %slice3A_5 = vector.extract_strided_slice %get3A_1 {offsets = [0, 64], sizes = [2048, 16], strides = [1, 1]} : vector<2048x80xf32> to vector<2048x16xf32>
    %concatenate3A = tpu.concatenate %slice3A, %slice3A, %slice3A, %slice3A, %slice3A_2, %slice3A_2, %slice3A_2, %slice3A_3, %slice3A_3, %slice3A_4 in 1 : vector<2048x16xf32>, vector<2048x16xf32>, vector<2048x16xf32>, vector<2048x16xf32>, vector<2048x16xf32>, vector<2048x16xf32>, vector<2048x16xf32>, vector<2048x16xf32>, vector<2048x16xf32>, vector<2048x16xf32> -> vector<2048x160xf32>
    %concatenate3A_6 = tpu.concatenate %slice3A_2, %slice3A_3, %slice3A_4, %slice3A_5, %slice3A_3, %slice3A_4, %slice3A_5, %slice3A_4, %slice3A_5, %slice3A_5 in 1 : vector<2048x16xf32>, vector<2048x16xf32>, vector<2048x16xf32>, vector<2048x16xf32>, vector<2048x16xf32>, vector<2048x16xf32>, vector<2048x16xf32>, vector<2048x16xf32>, vector<2048x16xf32>, vector<2048x16xf32> -> vector<2048x160xf32>
    %mul3A = arith.mulf %concatenate3A, %concatenate3A_6 : vector<2048x160xf32>
    %get3A_7 = arith.constant 0 : index
    %get3A_8 = arith.constant 0 : index
    %get3A_9 = vector.load %arg2[%get3A_7, %get3A_8] : memref<160x128xf32, #tpu.memory_space<vmem>>, vector<160x128xf32>
    %dot_general3A = arith.constant dense<0.000000e+00> : vector<2048x128xf32>
    %dot_general3A_10 = tpu.matmul %mul3A, %get3A_9, %dot_general3A {dimension_numbers = #tpu.dot_dimension_numbers<[1], [0], [0], [1], [0, 0, 1, 1], [], []>, transpose_lhs_hint = false} : vector<2048x160xf32>, vector<160x128xf32>, vector<2048x128xf32> -> vector<2048x128xf32>
    %get3A_11 = arith.constant 0 : index
    %get3A_12 = arith.constant 0 : index
    %get3A_13 = vector.load %arg3[%get3A_11, %get3A_12] : memref<1x128xf32, #tpu.memory_space<vmem>>, vector<1x128xf32>
    %add3A = vector.broadcast %get3A_13 : vector<1x128xf32> to vector<2048x128xf32>
    %add3A_14 = arith.addf %dot_general3A_10, %add3A : vector<2048x128xf32>
    %max3A = arith.constant 0.000000e+00 : f32
    %max3A_15 = vector.broadcast %max3A : f32 to vector<2048x128xf32>
    %max3A_16 = arith.maximumf %add3A_14, %max3A_15 : vector<2048x128xf32>
    %get3A_17 = arith.constant 0 : index
    %get3A_18 = arith.constant 0 : index
    %get3A_19 = vector.load %arg4[%get3A_17, %get3A_18] : memref<128x64xf32, #tpu.memory_space<vmem>>, vector<128x64xf32>
    %dot_general3A_20 = arith.constant dense<0.000000e+00> : vector<2048x64xf32>
    %dot_general3A_21 = tpu.matmul %max3A_16, %get3A_19, %dot_general3A_20 {dimension_numbers = #tpu.dot_dimension_numbers<[1], [0], [0], [1], [0, 0, 1, 1], [], []>, transpose_lhs_hint = false} : vector<2048x128xf32>, vector<128x64xf32>, vector<2048x64xf32> -> vector<2048x64xf32>
    %get3A_22 = arith.constant 0 : index
    %get3A_23 = arith.constant 0 : index
    %get3A_24 = vector.load %arg5[%get3A_22, %get3A_23] : memref<1x64xf32, #tpu.memory_space<vmem>>, vector<1x64xf32>
    %add3A_25 = vector.broadcast %get3A_24 : vector<1x64xf32> to vector<2048x64xf32>
    %add3A_26 = arith.addf %dot_general3A_21, %add3A_25 : vector<2048x64xf32>
    %max3A_27 = arith.constant 0.000000e+00 : f32
    %max3A_28 = vector.broadcast %max3A_27 : f32 to vector<2048x64xf32>
    %max3A_29 = arith.maximumf %add3A_26, %max3A_28 : vector<2048x64xf32>
    %get3A_30 = arith.constant 0 : index
    %get3A_31 = arith.constant 0 : index
    %get3A_32 = vector.load %arg6[%get3A_30, %get3A_31] : memref<1x64xf32, #tpu.memory_space<vmem>>, vector<1x64xf32>
    %mul3A_33 = vector.broadcast %get3A_32 : vector<1x64xf32> to vector<2048x64xf32>
    %mul3A_34 = arith.mulf %max3A_29, %mul3A_33 : vector<2048x64xf32>
    %reduce_sum3A = arith.constant dense<0.000000e+00> : vector<2048xf32>
    %reduce_sum3A_35 = vector.multi_reduction <add>, %mul3A_34, %reduce_sum3A [1] : vector<2048x64xf32> to vector<2048xf32>
    %broadcast_in_dim3A = vector.shape_cast %reduce_sum3A_35 : vector<2048xf32> to vector<2048x1xf32>
    %get3A_36 = arith.constant 0 : index
    %get3A_37 = arith.constant 0 : index
    %get3A_38 = vector.load %arg7[%get3A_36, %get3A_37] : memref<1x1xf32, #tpu.memory_space<vmem>>, vector<1x1xf32>
    %add3A_39 = vector.broadcast %get3A_38 : vector<1x1xf32> to vector<2048x1xf32>
    %add3A_40 = arith.addf %broadcast_in_dim3A, %add3A_39 : vector<2048x1xf32>
    %neg3A = arith.constant 0.000000e+00 : f32
    %neg3A_41 = vector.broadcast %neg3A : f32 to vector<2048x1xf32>
    %neg3A_42 = arith.subf %neg3A_41, %add3A_40 : vector<2048x1xf32>
    %exp3A = math.exp %neg3A_42 : vector<2048x1xf32>
    %add3A_43 = arith.constant 1.000000e+00 : f32
    %add3A_44 = vector.broadcast %add3A_43 : f32 to vector<2048x1xf32>
    %add3A_45 = arith.addf %add3A_44, %exp3A : vector<2048x1xf32>
    %div3A = arith.constant 1.000000e+00 : f32
    %div3A_46 = vector.broadcast %div3A : f32 to vector<2048x1xf32>
    %div3A_47 = arith.divf %div3A_46, %add3A_45 : vector<2048x1xf32>
    %swap3A = arith.constant 0 : index
    %swap3A_48 = arith.constant 0 : index
    %swap3A_49 = vector.load %arg8[%swap3A, %swap3A_48] : memref<2048x1xf32, #tpu.memory_space<vmem>>, vector<2048x1xf32>
    tpu.vector_store %arg8[%swap3A, %swap3A_48], %div3A_47 {strides = array<i32>} : memref<2048x1xf32, #tpu.memory_space<vmem>>, vector<2048x1xf32>,
    return
  }
  func.func @transform_0(%arg0: i32) -> (i32, i32) {
    %c0_i32 = arith.constant 0 : i32
    %c0_i32_0 = arith.constant 0 : i32
    return %arg0, %c0_i32 : i32, i32
  }
  func.func @transform_1(%arg0: i32) -> (i32, i32) {
    %c0_i32 = arith.constant 0 : i32
    %c0_i32_0 = arith.constant 0 : i32
    %c0_i32_1 = arith.constant 0 : i32
    return %c0_i32, %c0_i32_0 : i32, i32
  }
  func.func @transform_2(%arg0: i32) -> (i32, i32) {
    %c0_i32 = arith.constant 0 : i32
    %c0_i32_0 = arith.constant 0 : i32
    %c0_i32_1 = arith.constant 0 : i32
    return %c0_i32, %c0_i32_0 : i32, i32
  }
  func.func @transform_3(%arg0: i32) -> (i32, i32) {
    %c0_i32 = arith.constant 0 : i32
    %c0_i32_0 = arith.constant 0 : i32
    %c0_i32_1 = arith.constant 0 : i32
    return %c0_i32, %c0_i32_0 : i32, i32
  }
  func.func @transform_4(%arg0: i32) -> (i32, i32) {
    %c0_i32 = arith.constant 0 : i32
    %c0_i32_0 = arith.constant 0 : i32
    %c0_i32_1 = arith.constant 0 : i32
    return %c0_i32, %c0_i32_0 : i32, i32
  }
  func.func @transform_5(%arg0: i32) -> (i32, i32) {
    %c0_i32 = arith.constant 0 : i32
    %c0_i32_0 = arith.constant 0 : i32
    %c0_i32_1 = arith.constant 0 : i32
    return %c0_i32, %c0_i32_0 : i32, i32
  }
  func.func @transform_6(%arg0: i32) -> (i32, i32) {
    %c0_i32 = arith.constant 0 : i32
    %c0_i32_0 = arith.constant 0 : i32
    %c0_i32_1 = arith.constant 0 : i32
    return %c0_i32, %c0_i32_0 : i32, i32
  }
  func.func @transform_7(%arg0: i32) -> (i32, i32) {
    %c0_i32 = arith.constant 0 : i32
    %c0_i32_0 = arith.constant 0 : i32
    return %arg0, %c0_i32 : i32, i32
  }
}

</mosaic_0001>

<sc_bundles>
// kernel: kernel.4.cloned.1.call-start
scs
__scs_entry_jumppad:
0x0: {  	(pc) =	sbr.rel $0x88, $3  }
0x1: {  	(tag) =	ssettag $0x0;
	lr =	simm.s32 $0x1  }
0x2: {  	[smem:$0x3F97] =	sst lr;
	_ =	strace $0xD0000000  }
0x3: {  	_ = 	snop  }
0x4: {  	_ = 	snop  }
0x5: {  	_ = 	snop  }
0x6: {  	_ = 	snop  }
0x7: {  	_ = 	snop  }
__scs_overlays_trampoline_lowered:
0x8: {  	[smem:$0x3FA6] =	sst s0  }
0x9: {  	[smem:$0x3FA7] =	sst s1  }
0xa: {  	[smem:$0x3FA8] =	sst s2  }
0xb: {  	[smem:$0x3FA9] =	sst s3  }
0xc: {  	[smem:$0x3FAA] =	sst s4  }
0xd: {  	[smem:$0x3FAB] =	sst s5  }
0xe: {  	[smem:$0x3FAC] =	sst s6  }
0xf: {  	[smem:$0x3FAD] =	sst s7  }
0x10: {  	[smem:$0x3FAE] =	sst s8  }
0x11: {  	[smem:$0x3FAF] =	sst s9;
	s0 =	simm.s32 @!p0 $0x0  }
0x12: {  	s1 =	sld [smem:$0x3F95];
	s0 =	simm.s32 @p0 $0x1  }
0x13: {  	[smem:$0x3FB0] =	sst s0;
	s0 =	simm.s32 @!p1 $0x0  }
0x14: {  	s2 =	sld [smem:$0x3F94];
	s0 =	simm.s32 @p1 $0x1  }
0x15: {  	[smem:$0x3FB1] =	sst s0;
	s0 =	simm.s32 @!p2 $0x0  }
0x16: {  	s3 =	sld [smem:$0x3FDB];
	s0 =	simm.s32 @p2 $0x1  }
0x17: {  	s4 =	simm.s32 $0x1BF5;
	[smem:$0x3FB3] =	sst s0  }
0x18: {  	s0 =	sld [smem:$0x3F96];
	_ =	swait.ge [sflag:s4], $0x0  }
0x19: {  	s7 =	sld [smem:$0x3F97]  }
0x1a: {  	s8 =	sadd.s32 $0xFFFFE003, lr  }
0x1b: {  	s9 =	sadd.s32 $0xFFFFFEF7, lr;
	s5 =	simm.s32 $0xFFFFFFFF;
	p2 =	slt.u32 s8, $0xFFFFF086  }
0x1c: {  	p1 =	slt.u32 s9, $0xF7A;
	s5 =	simm.s32 @!p2 $0x0  }
0x1d: {  	s5 =	simm.s32 @p1 $0x1;
	p0 =	seq.s32 s7, s2  }
0x1e: {  	s7 =	smul.u32 @!p0 $0xF7A, s2;
	p2 =	seq.s32 @!p0 s5, $0x0  }
0x1f: {  	s9 =	smul.u32 $0xF7A, s1;
	s8 =	simm.s32 @!p0 $0x1BF5;
	p2 =	por !p2, p0  }
0x20: {  	[sflag:s8] =	ssyncset.s32 @!p0 $0xFFFFF086;
	s6 =	sadd.s32 @!p0 s3, s7;
	s7 =	simm.s32 @!p0 $0x108  }
0x21: {  	s3 =	sadd.s32 s3, s9;
	s6 =	sadd.s32 @!p0 $0x88, s6;
	s7 =	simm.s32 @p2 $0x1082  }
0x22: {  	[simem:s7], [sflag:s8] =	dma.local @!p0 [hbm:s6], $0xF7A  }
0x23: {  	s9 =	sor.u32 $0xD0000000, s2;
	s6 =	simm.s32 $0x108;
	_ =	swait.ge @!p0 [sflag:s8], $0x0  }
0x24: {  	s3 =	sadd.s32 $0x88, s3;
	s6 =	simm.s32 @!p1 $0x1082;
	[sflag:s4] =	ssyncset.s32 $0xFFFFF086  }
0x25: {  	[simem:s6], [sflag:s4] =	dma.local [hbm:s3], $0xF7A  }
0x26: {  	[smem:$0x3F97] =	sst s1;
	(tag) =	ssettag s2;
	_ =	strace s9  }
0x27: {  	s1 =	sld [smem:$0x3FA7]  }
0x28: {  	s2 =	sld [smem:$0x3FA8]  }
0x29: {  	s4 =	sld [smem:$0x3FAA]  }
0x2a: {  	p0 =	seq.s32 s5, $0x0;
	s5 =	sld [smem:$0x3FAB]  }
0x2b: {  	s6 =	sld [smem:$0x3FAC]  }
0x2c: {  	s7 =	sld [smem:$0x3FAD]  }
0x2d: {  	s3 =	simm.s32 $0x108;
	s8 =	sld [smem:$0x3FAE]  }
0x2e: {  	s3 =	simm.s32 @!p0 $0x1082;
	s9 =	sld [smem:$0x3FAF]  }
0x2f: {  	lr =	sadd.s32 s0, s3;
	s0 =	sld [smem:$0x3FA6]  }
0x30: {  	s3 =	sld [smem:$0x3FA9]  }
0x31: {  	[smem:$0x3FB2] =	sst s10  }
0x32: {  	s10 =	sld [smem:$0x3FB0];
	_ =	sdelay $0x3  }
0x33: {  	p0 =	seq.s32 s10, $0x1;
	s10 =	sld [smem:$0x3FB2];
	_ =	sdelay $0x3  }
0x34: {  	[smem:$0x3FB2] =	sst s10  }
0x35: {  	s10 =	sld [smem:$0x3FB1];
	_ =	sdelay $0x3  }
0x36: {  	p1 =	seq.s32 s10, $0x1;
	s10 =	sld [smem:$0x3FB2];
	_ =	sdelay $0x3  }
0x37: {  	[smem:$0x3FB2] =	sst s10  }
0x38: {  	s10 =	sld [smem:$0x3FB3]  }
0x39: {  	_ = 	snop;
	(pc) =	sbr.ind lr, $3  }
0x3a: {  	_ = 	snop  }
0x3b: {  	_ = 	snop  }
0x3c: {  	p2 =	seq.s32 s10, $0x1;
	s10 =	sld [smem:$0x3FB2]  }
0x3d: {  	_ =	shalt  }
0x3e: {  	_ =	shalt  }
0x3f: {  	_ =	shalt  }
0x40: {  	_ =	shalt  }
0x41: {  	_ =	shalt  }
0x42: {  	_ =	shalt  }
0x43: {  	_ =	shalt  }
0x44: {  	_ =	shalt  }
0x45: {  	_ =	shalt  }
0x46: {  	_ =	shalt  }
0x47: {  	_ =	shalt  }
0x48: {  	_ =	shalt  }
0x49: {  	_ =	shalt  }
0x4a: {  	_ =	shalt  }
0x4b: {  	_ =	shalt  }
0x4c: {  	_ =	shalt  }
0x4d: {  	_ =	shalt  }
0x4e: {  	_ =	shalt  }
0x4f: {  	_ =	shalt  }
0x50: {  	_ =	shalt  }
0x51: {  	_ =	shalt  }
0x52: {  	_ =	shalt  }
0x53: {  	_ =	shalt  }
0x54: {  	_ =	shalt  }
0x55: {  	_ =	shalt  }
0x56: {  	_ =	shalt  }
0x57: {  	_ =	shalt  }
0x58: {  	_ =	shalt  }
0x59: {  	_ =	shalt  }
0x5a: {  	_ =	shalt  }
0x5b: {  	_ =	shalt  }
0x5c: {  	_ =	shalt  }
0x5d: {  	_ =	shalt  }
0x5e: {  	_ =	shalt  }
0x5f: {  	_ =	shalt  }
0x60: {  	_ =	shalt  }
0x61: {  	_ =	shalt  }
0x62: {  	_ =	shalt  }
0x63: {  	_ =	shalt  }
0x64: {  	_ =	shalt  }
0x65: {  	_ =	shalt  }
0x66: {  	_ =	shalt  }
0x67: {  	_ =	shalt  }
0x68: {  	_ =	shalt  }
0x69: {  	_ =	shalt  }
0x6a: {  	_ =	shalt  }
0x6b: {  	_ =	shalt  }
0x6c: {  	_ =	shalt  }
0x6d: {  	_ =	shalt  }
0x6e: {  	_ =	shalt  }
0x6f: {  	_ =	shalt  }
0x70: {  	_ =	shalt  }
0x71: {  	_ =	shalt  }
0x72: {  	_ =	shalt  }
0x73: {  	_ =	shalt  }
0x74: {  	_ =	shalt  }
0x75: {  	_ =	shalt  }
0x76: {  	_ =	shalt  }
0x77: {  	_ =	shalt  }
0x78: {  	_ =	shalt  }
0x79: {  	_ =	shalt  }
0x7a: {  	_ =	shalt  }
0x7b: {  	_ =	shalt  }
0x7c: {  	_ =	shalt  }
0x7d: {  	_ =	shalt  }
0x7e: {  	_ =	shalt  }
0x7f: {  	_ =	shalt  }
0x80: {  	_ =	shalt  }
0x81: {  	_ =	shalt  }
0x82: {  	_ =	shalt  }
0x83: {  	_ =	shalt  }
0x84: {  	_ =	shalt  }
0x85: {  	_ =	shalt  }
0x86: {  	_ =	shalt  }
0x87: {  	_ =	shalt  }
.Lfunc_end0:
.L_simem_size_0:
called_computation_lowered:
.L_overlay_start_0:
0x88: {  	s2 =	sld [smem:$0x3FD9]  }
0x89: {  	s3 =	sld [smem:$0x3FFE];
	_ =	sdelay $0x1  }
0x8a: {  	s1 =	srdreg.scid  }
0x8b: {  	s0 =	sand.u32 $0x1, s1  }
0x8c: {  	s17 =	sshll.u32 s0, $0xA;
	s2 =	sadd.s32 s3, s2  }
0x8d: {  	s2 =	sadd.s32 s2, s17  }
0x8e: {  	[smem:$0x3FBE] =	sst s2  }
0x8f: {  	_ = 	snop  }
0x90: {  	s2 =	sld [smem:$0x3FC9]  }
0x91: {  	s18 =	sld [smem:$0x3FC1]  }
0x92: {  	s4 =	sld [smem:$0x3FC0]  }
0x93: {  	s5 =	sld [smem:$0x3FD0];
	(tm) =	ssettm $0x1  }
0x94: {  	s6 =	sld [smem:$0x3FFB];
	_ =	sdelay $0x3  }
0x95: {  	_ =	strace s6  }
0x96: {  	s6 =	sld [smem:$0x3FFC];
	_ =	sdelay $0x3  }
0x97: {  	_ =	strace s6  }
0x98: {  	s6 =	sld [smem:$0x3FFD];
	_ =	sdelay $0x3  }
0x99: {  	_ =	strace s6  }
0x9a: {  	_ =	strace $0x8FFFFFFF  }
0x9b: {  	s19 =	sld [smem:$0x3FDB];
	_ =	sdelay $0x1  }
0x9c: {  	s7 =	simm.s32 $_scs_section_size  }
0x9d: {  	s8 =	simm.s32 $_size__tile_overlayer_lowered;
	s9 =	simm.s32 $_tile_overlayer_lowered  }
0x9e: {  	s22 =	simm.s32 $0x1BFF;
	s21 =	sshll.u32 s9, $0x1;
	s6 =	sadd.s32 s7, s19  }
0x9f: {  	s10 =	simm.s32 $0x0;
	s20 =	sshll.u32 s8, $0x1;
	s8 =	sadd.s32 s21, s6  }
0xa0: {  	[timem:s10], [sflag:s22] =	dma.local [hbm:s8], s20  }
0xa1: {  	_ =	swait.ge [sflag:s22], s20  }
0xa2: {  	s7 =	ssub.s32 $0x0, s20;
	[sflag:s22] =	ssyncset.done $0x0  }
0xa3: {  	[sflag:s22] =	ssyncadd.s32 s7;
	_ =	sdelay $0x1  }
0xa4: {  	s23 =	simm.s32 $0x1B8B  }
0xa5: {  	_ =	swait.ge [sflag:s23], $0x1  }
0xa6: {  	[sflag:s23] =	ssyncset.done $0x0  }
0xa7: {  	s25 =	simm.s32 $0x1B8E;
	s24 =	sld [smem:$0x3FFE];
	[sflag:s23] =	ssyncadd.s32 $0xFFFFFFFF  }
0xa8: {  	s26 =	simm.s32 $execute0_lowered;
	[smem:$0x3FD2] =	sst s25  }
0xa9: {  	s8 =	sshll.u32 s26, $0x1;
	_ =	strace $0x80000046;
	[dreg:$0x1] =	wrdreg $0xFFFFFFFF  }
0xaa: {  	s28 =	simm.s32 $_size_execute0_lowered;
	s6 =	sadd.s32 s6, s8;
	[dreg:$0x0] =	wrdreg $0x0  }
0xab: {  	s8 =	sshll.u32 s28, $0x1;
	[dreg:$0x2] =	wrdreg s6  }
0xac: {  	[dreg:$0x3] =	wrdreg s8  }
0xad: {  	[dreg:$0x4] =	wrdreg $0xC0  }
0xae: {  	_ =	task [dreg:s10], $0x5FFFF  }
0xaf: {  	[dreg:$0x1] =	wrdreg $0xFFFFFFFF  }
0xb0: {  	[dreg:$0x0] =	wrdreg $0x60  }
0xb1: {  	[dreg:$0x2] =	wrdreg s2  }
0xb2: {  	[dreg:$0x3] =	wrdreg s18  }
0xb3: {  	[dreg:$0x4] =	wrdreg s4  }
0xb4: {  	[dreg:$0x5] =	wrdreg s5  }
0xb5: {  	[dreg:$0x6] =	wrdreg s24  }
0xb6: {  	[dreg:$0x7] =	wrdreg $0x9  }
0xb7: {  	_ =	task.clear_ibuf [dreg:s10], $0x8FFFF;
	_ =	strace $0x90000046  }
0xb8: {  	s29 =	simm.s32 $0x9;
	_ =	strace $0x80000048  }
0xb9: {  	_ =	swait.ge [sflag:s29], $0x1  }
0xba: {  	[sflag:s29] =	ssyncadd.s32 $0xFFFFFFFF  }
0xbb: {  	_ =	strace $0x90000048  }
0xbc: {  	_ =	sfence  }
0xbd: {  	s30 =	sld [smem:$0x0];
	_ =	sdelay $0x2  }
0xbe: {  	s31 =	sshll.u32 s1, $0xD;
	s1 =	sshrl.u32 s1, $0x2  }
0xbf: {  	s3 =	sand.u32 $0x4000, s31;
	s1 =	sadd.s32 s1, s30  }
0xc0: {  	s0 =	sor.u32 s3, s0;
	s1 =	sshll.u32 s1, $0x11  }
0xc1: {  	s0 =	sor.u32 s1, s0  }
0xc2: {  	s0 =	sadd.s32 $0x8F2B, s0  }
0xc3: {  	[sflag:s0] =	ssyncadd.remote.s32 $0x1  }
0xc4: {  	_ =	sfence.sel $0xFFFF  }
0xc5: {  	[dreg:$0x0] =	wrdreg $0xFFFFFFFF;
	(pc) =	sbr.abs _section_cstart, $3  }
0xc6: {  	[dreg:$0x1] =	wrdreg $0xFFFFFFFF  }
0xc7: {  	_ =	task.clear_ibuf [dreg:s10], $0x2FFFF;
	_ =	strace $0x9FFFFFFF  }
0xc8: {  	(tm) =	ssettm $0x7FFFFFFF  }
0xc9: {  	_ =	shalt  }
tec
execute0_lowered:
.L_overlay_start_1:
0x0: {  	(tag) =	ssettag $0x1  }
0x1: {  	s0 =	rddreg [dreg:$0x0]  }
0x2: {  	s5 =	rddreg [dreg:$0x1]  }
0x3: {  	s6 =	rddreg [dreg:$0x2]  }
0x4: {  	s2 =	srdreg.scid;
	s3 =	rddreg [dreg:$0x3]  }
0x5: {  	s1 =	stileid.u32;
	s8 =	rddreg [dreg:$0x4];
	s4 =	simm.s32 $0x0  }
0x6: {  	s12 =	simm.s32 $0x7A1400;
	s13 =	simm.s32 $0x400;
	s14 =	simm.s32 $0x4A00  }
0x7: {  	s15 =	simm.s32 $0x5200;
	s16 =	simm.s32 $0x5A00;
	s17 =	simm.s32 $0x6200  }
0x8: {  	s18 =	simm.s32 $0x6A00;
	s19 =	simm.s32 $0x7200;
	s20 =	simm.s32 $0x7A00  }
0x9: {  	s21 =	simm.s32 $0x8200;
	s22 =	simm.s32 $0x1;
	s23 =	simm.s32 $0xCA00  }
0xa: {  	s24 =	simm.s32 $0x0;
	s7 =	sand.u32 $0x1, s2;
	s9 =	sshll.u32 s1, $0xA  }
0xb: {  	vm0 =	vmmov $0x1;
	v0 =	vlaneseq.u32;
	[smem:$0x7FF] =	sst s4;
	s10 =	sshll.u32 s7, $0x9;
	s7 =	ssub.s32 $0x2, s7  }
0xc: {  	vm1 =	vcmask $0x308;
	vm2 =	vcmask $0x70C;
	v1 =	vmul.u32 $0x80, v0;
	_ =	strace $0x80000047;
	s9 =	sor.u32 s10, s9;
	s31 =	sshrl.u32 s7, $0x1  }
0xd: {  	vm3 =	vcmask $0xB10;
	vm4 =	vcmask $0xF14;
	vm5 =	vcmask $0x1318;
	s10 =	sshll.u32 s9, $0x4;
	s11 =	sshrl.u32 s9, $0x3;
	s9 =	sshrl.u32 s9, $0x1  }
0xe: {  	vm6 =	vcmask $0x171C;
	vm7 =	vcmask $0x1B20;
	v2 =	vor.u32 $0x800, v1;
	s8 =	sadd.s32 s10, s8;
	s10 =	ssub.s32 s7, s31;
	s5 =	sadd.s32 s5, s11  }
0xf: {  	v3 =	vor.u32 $0x1000, v1;
	v4 =	vor.u32 $0x1800, v1;
	v5 =	vor.u32 $0x2000, v1;
	s6 =	sadd.s32 s6, s9;
	s9 =	simm.s32 $0x200;
	s11 =	simm.s32 $0xA00  }
0x10: {  	v6 =	vor.u32 $0x2800, v1;
	v7 =	vor.u32 $0x3000, v1;
	v8 =	vor.u32 $0x3800, v1;
	s7 =	sadd.s32 $0xC00, s8;
	s8 =	smax.u32 s10, $0x1;
	s10 =	simm.s32 $0x2  }
.LBB2_1:
0x11: {  	[tilespmem:s4], [sflag:$0x2] =	stream.linear.gather [hbm4b:s5+s4], $0x200, $0x38;
	[tilespmem:$0x1CA00] =	vst v63  }
0x12: {  	_ =	swait.ge [sflag:s10], $0x200  }
0x13: {  	[sflag:s10] =	ssyncset.done $0x0  }
0x14: {  	[sflag:s10] =	ssyncadd.s32 $0xFFFFFE00  }
0x15: {  	[tilespmem:s9], [sflag:$0x2] =	stream.linear.gather [hbm4b:s6+s4], $0x800, $0x38;
	[tilespmem:$0x1CA00] =	vst v63  }
0x16: {  	_ =	swait.ge [sflag:s10], $0x800  }
0x17: {  	[sflag:s10] =	ssyncset.done $0x0  }
0x18: {  	[sflag:s10] =	ssyncadd.s32 $0xFFFFF800  }
0x19: {  	[tilespmem:s11], [sflag:$0x2] =	stream.linear.gather [hbm4b:s3+s4], $0x4000, $0x38;
	[tilespmem:$0x1CA00] =	vst v63  }
0x1a: {  	_ =	swait.ge [sflag:s10], $0x4000  }
0x1b: {  	[sflag:s10] =	ssyncset.done $0x0  }
0x1c: {  	[sflag:s10] =	ssyncadd.s32 $0xFFFFC000  }
0x1d: {  	v9 =	vld [tilespmem:$0x0];
	_ =	sdelay $0x4  }
0x1e: {  	vm8 =	vgt.s32 v9, $0x0  }
0x1f: {  	v9 =	vnsel vm8, $0x0, v9  }
0x20: {  	v9 =	vmin.u32 v9, $0xF423F  }
0x21: {  	v9 =	vand.u32 $0xFFF80, v9  }
0x22: {  	v10 =	vnsel vm0, $0x0, v9  }
0x23: {  	v10 =	vor.u32 $0x80000000, v10  }
0x24: {  	(xrf0) =	vmax.scan.msk.u32 $0xffff, v10  }
0x25: {  	v10 =	vsel vm1, $0x0, v9  }
0x26: {  	v10 =	vor.u32 $0x80000000, v10  }
0x27: {  	(xrf0) =	vmax.scan.msk.u32 $0xffff, v10;
	_ =	sdelay $0x2  }
0x28: {  	v11 =	vsel vm2, $0x0, v9;
	v10, _, _ =	vpop (xrf0)  }
0x29: {  	(v2sf) =	vpush v10, $0xF;
	v10 =	vor.u32 $0x80000000, v11  }
0x2a: {  	(xrf0) =	vmax.scan.msk.u32 $0xffff, v10;
	v10 =	vsel vm3, $0x0, v9  }
0x2b: {  	v11, _, _ =	vpop (xrf0);
	v10 =	vor.u32 $0x80000000, v10  }
0x2c: {  	(v2sf) =	vpush v11, $0xF;
	(xrf0) =	vmax.scan.msk.u32 $0xffff, v10;
	v10 =	vsel vm4, $0x0, v9  }
0x2d: {  	v10 =	vor.u32 $0x80000000, v10;
	_ =	sdelay $0x1  }
0x2e: {  	v11 =	vsel vm5, $0x0, v9;
	(xrf0) =	vmax.scan.msk.u32 $0xffff, v10  }
0x2f: {  	v10, _, _ =	vpop (xrf0)  }
0x30: {  	(v2sf) =	vpush v10, $0xF  }
0x31: {  	v10 =	vor.u32 $0x80000000, v11;
	v11, _, _ =	vpop (xrf0)  }
0x32: {  	(v2sf) =	vpush v11, $0xF  }
0x33: {  	(xrf0) =	vmax.scan.msk.u32 $0xffff, v10;
	v10 =	vsel vm6, $0x0, v9  }
0x34: {  	v10 =	vor.u32 $0x80000000, v10;
	v11, _, _ =	vpop (xrf0)  }
0x35: {  	(xrf0) =	vmax.scan.msk.u32 $0xffff, v10;
	(v2sf) =	vpush v11, $0xF;
	_ =	sdelay $0x1  }
0x36: {  	v9 =	vsel vm7, $0x0, v9  }
0x37: {  	v9 =	vor.u32 $0x80000000, v9;
	s25 =	spop (v2sf)  }
0x38: {  	v10, _, _ =	vpop (xrf0);
	s25 =	sand.u32 $0x1FFFFF80, s25  }
0x39: {  	(xrf0) =	vmax.scan.msk.u32 $0xffff, v9;
	(v2sf) =	vpush v10, $0xF;
	s25 =	sadd.s32 s0, s25;
	s26 =	spop (v2sf)  }
0x3a: {  	v9, _, _ =	vpop (xrf0);
	[tilespmem:s14], [sflag:$0x1] =	stream.strided.gather [hbm4b:s25+s13], $0x800, s12, s13, $0x38;
	[tilespmem:$0x1CA00] =	vst v63  }
0x3b: {  	(v2sf) =	vpush v9, $0xF;
	s25 =	sand.u32 $0x1FFFFF80, s26  }
0x3c: {  	s25 =	sadd.s32 s0, s25  }
0x3d: {  	[tilespmem:s15], [sflag:$0x1] =	stream.strided.gather [hbm4b:s25+s13], $0x800, s12, s13, $0x38;
	[tilespmem:$0x1CA00] =	vst v63  }
0x3e: {  	s28 =	spop (v2sf)  }
0x3f: {  	v9, _, _ =	vpop (xrf0);
	s25 =	sand.u32 $0x1FFFFF80, s28  }
0x40: {  	(v2sf) =	vpush v9, $0xF;
	s26 =	spop (v2sf);
	s25 =	sadd.s32 s0, s25  }
0x41: {  	[tilespmem:s16], [sflag:$0x1] =	stream.strided.gather [hbm4b:s25+s13], $0x800, s12, s13, $0x38;
	[tilespmem:$0x1CA00] =	vst v63  }
0x42: {  	s30 =	sand.u32 $0x1FFFFF80, s26  }
0x43: {  	s31 =	spop (v2sf);
	s25 =	sadd.s32 s0, s30  }
0x44: {  	[tilespmem:s17], [sflag:$0x1] =	stream.strided.gather [hbm4b:s25+s13], $0x800, s12, s13, $0x38;
	[tilespmem:$0x1CA00] =	vst v63  }
0x45: {  	s1 =	sand.u32 $0x1FFFFF80, s31  }
0x46: {  	s25 =	sadd.s32 s0, s1  }
0x47: {  	[tilespmem:s18], [sflag:$0x1] =	stream.strided.gather [hbm4b:s25+s13], $0x800, s12, s13, $0x38;
	[tilespmem:$0x1CA00] =	vst v63  }
0x48: {  	s2 =	spop (v2sf)  }
0x49: {  	s26 =	sand.u32 $0x1FFFFF80, s2  }
0x4a: {  	s28 =	spop (v2sf);
	s25 =	sadd.s32 s0, s26  }
0x4b: {  	[tilespmem:s19], [sflag:$0x1] =	stream.strided.gather [hbm4b:s25+s13], $0x800, s12, s13, $0x38;
	[tilespmem:$0x1CA00] =	vst v63  }
0x4c: {  	s30 =	sand.u32 $0x1FFFFF80, s28  }
0x4d: {  	s25 =	sadd.s32 s0, s30  }
0x4e: {  	[tilespmem:s20], [sflag:$0x1] =	stream.strided.gather [hbm4b:s25+s13], $0x800, s12, s13, $0x38;
	[tilespmem:$0x1CA00] =	vst v63  }
.Ltmp0:
0x4f: {  	s31 =	spop (v2sf);
	(pc) =	sbr.rel .LBB2_2-.Ltmp0, $4  }
0x50: {  	s25 =	sand.u32 $0x1FFFFF80, s31  }
0x51: {  	s25 =	sadd.s32 s0, s25  }
0x52: {  	[tilespmem:s21], [sflag:$0x1] =	stream.strided.gather [hbm4b:s25+s13], $0x800, s12, s13, $0x38;
	[tilespmem:$0x1CA00] =	vst v63  }
0x53: {  	s29 =	simm.s32 $0x0;
	s26 =	simm.s32 $0xCC00;
	s25 =	simm.s32 $0x20  }
.LBB2_4:
0x54: {  	_ =	swait.ge [sflag:s22], $0x800  }
0x55: {  	[sflag:s22] =	ssyncset.done $0x0  }
0x56: {  	[sflag:s22] =	ssyncadd.s32 $0xFFFFF800  }
0x57: {  	_ =	swait.ge [sflag:s22], $0x800  }
0x58: {  	[sflag:s22] =	ssyncset.done $0x0  }
0x59: {  	[sflag:s22] =	ssyncadd.s32 $0xFFFFF800  }
0x5a: {  	_ =	swait.ge [sflag:s22], $0x800  }
0x5b: {  	[sflag:s22] =	ssyncset.done $0x0  }
0x5c: {  	[sflag:s22] =	ssyncadd.s32 $0xFFFFF800  }
0x5d: {  	_ =	swait.ge [sflag:s22], $0x800  }
0x5e: {  	[sflag:s22] =	ssyncset.done $0x0  }
0x5f: {  	[sflag:s22] =	ssyncadd.s32 $0xFFFFF800  }
0x60: {  	_ =	swait.ge [sflag:s22], $0x800  }
0x61: {  	[sflag:s22] =	ssyncset.done $0x0  }
0x62: {  	[sflag:s22] =	ssyncadd.s32 $0xFFFFF800  }
0x63: {  	_ =	swait.ge [sflag:s22], $0x800  }
0x64: {  	[sflag:s22] =	ssyncset.done $0x0  }
0x65: {  	[sflag:s22] =	ssyncadd.s32 $0xFFFFF800  }
0x66: {  	_ =	swait.ge [sflag:s22], $0x800  }
0x67: {  	[sflag:s22] =	ssyncset.done $0x0  }
0x68: {  	[sflag:s22] =	ssyncadd.s32 $0xFFFFF800  }
0x69: {  	s1 =	sadd.s32 $0xFFFFFFE0, s25;
	_ =	swait.ge [sflag:s22], $0x800  }
0x6a: {  	s1 =	sand.u32 $0x7C0, s1;
	[sflag:s22] =	ssyncset.done $0x0  }
0x6b: {  	s1 =	sshrl.u32 s1, $0x2;
	[sflag:s22] =	ssyncadd.s32 $0xFFFFF800  }
0x6c: {  	v9 =	vld [tilespmem:s1+$0x0];
	_ =	sdelay $0x4  }
0x6d: {  	vm8 =	vgt.s32 v9, $0x0  }
0x6e: {  	s30 =	sand.u32 $0x1, s29;
	v9 =	vnsel vm8, $0x0, v9  }
0x6f: {  	s1 =	sshll.u32 s30, $0x3;
	v9 =	vmin.u32 v9, $0xF423F  }
0x70: {  	v10 =	vmov s1;
	v9 =	vand.u32 $0x7F, v9  }
0x71: {  	vm8 =	veq.s32 v10, v0;
	v9 =	vor.u32 $0x80000000, v9  }
0x72: {  	v10 =	vnsel vm8, $0x80000000, v9  }
0x73: {  	(xrf0) =	vmax.scan.msk.u32 $0xffff, v10;
	_ =	sdelay $0x1  }
0x74: {  	s2 =	sor.u32 $0x1, s1  }
0x75: {  	v10 =	vmov s2  }
0x76: {  	vm8 =	veq.s32 v10, v0  }
0x77: {  	v10 =	vnsel vm8, $0x80000000, v9  }
0x78: {  	v11, _, _ =	vpop (xrf0);
	(xrf0) =	vmax.scan.msk.u32 $0xffff, v10  }
0x79: {  	(v2sf) =	vpush v11, $0xF  }
0x7a: {  	s31 =	sor.u32 $0x2, s1  }
0x7b: {  	v10 =	vmov s31  }
0x7c: {  	vm8 =	veq.s32 v10, v0  }
0x7d: {  	v10 =	vnsel vm8, $0x80000000, v9  }
0x7e: {  	v11, _, _ =	vpop (xrf0);
	(xrf0) =	vmax.scan.msk.u32 $0xffff, v10  }
0x7f: {  	(v2sf) =	vpush v11, $0xF  }
0x80: {  	s31 =	sor.u32 $0x3, s1  }
0x81: {  	v10 =	vmov s31  }
0x82: {  	vm8 =	veq.s32 v10, v0  }
0x83: {  	v10 =	vnsel vm8, $0x80000000, v9  }
0x84: {  	v11, _, _ =	vpop (xrf0);
	(xrf0) =	vmax.scan.msk.u32 $0xffff, v10  }
0x85: {  	(v2sf) =	vpush v11, $0xF  }
0x86: {  	s31 =	sor.u32 $0x4, s1  }
0x87: {  	v10 =	vmov s31  }
0x88: {  	vm8 =	veq.s32 v10, v0;
	s31 =	spop (v2sf)  }
0x89: {  	v10 =	vnsel vm8, $0x80000000, v9;
	s2 =	sxor.u32 $0x80000000, s31  }
0x8a: {  	v11 =	vmov s2;
	v12, _, _ =	vpop (xrf0);
	(xrf0) =	vmax.scan.msk.u32 $0xffff, v10  }
0x8b: {  	s29 =	sshll.u32 s30, $0xE;
	v10 =	vand.u32 $0xFFFFFF80, v11;
	(v2sf) =	vpush v12, $0xF  }
0x8c: {  	s31 =	sor.u32 $0x5, s1;
	v11 =	vand.u32 $0x7F, v11;
	v10 =	vadd.s32 s29, v10  }
0x8d: {  	v10 =	vor.u32 v11, v10;
	v11 =	vmov s31  }
0x8e: {  	v10 =	vadd.s32 v1, v10;
	s31 =	spop (v2sf);
	vm8 =	veq.s32 v11, v0  }
0x8f: {  	s2 =	sxor.u32 $0x80000000, s31;
	v11 =	vnsel vm8, $0x80000000, v9  }
0x90: {  	v50 =	vmov s2;
	v13, _, _ =	vpop (xrf0);
	(xrf0) =	vmax.scan.msk.u32 $0xffff, v11  }
0x91: {  	v11 =	vand.u32 $0xFFFFFF80, v50;
	(v2sf) =	vpush v13, $0xF  }
0x92: {  	s1 =	sor.u32 $0x6, s1;
	v12 =	vand.u32 $0x7F, v50;
	v11 =	vadd.s32 s29, v11  }
0x93: {  	v51 =	vmov s1;
	v10 =	vld.idx.msk [tilespmem:v10+s14+$0x0], $0xffff;
	v11 =	vor.u32 v12, v11  }
0x94: {  	vm8 =	veq.s32 v51, v0;
	v11 =	vadd.s32 v2, v11;
	s31 =	spop (v2sf)  }
0x95: {  	v12 =	vnsel vm8, $0x80000000, v9;
	s1 =	sxor.u32 $0x80000000, s31  }
0x96: {  	v52, _, _ =	vpop (xrf0);
	(xrf0) =	vmax.scan.msk.u32 $0xffff, v12;
	v53 =	vmov s1  }
0x97: {  	(v2sf) =	vpush v52, $0xF;
	v54 =	vand.u32 $0xFFFFFF80, v53  }
0x98: {  	s2 =	sshllo.u32 s30, $0x3;
	[tilespmem:s26+$0xFFFFFE00] =	vst v10;
	v10 =	vand.u32 $0x7F, v53;
	v55 =	vadd.s32 s29, v54  }
0x99: {  	v56 =	vmov s2;
	v11 =	vld.idx.msk [tilespmem:v11+s14+$0x0], $0xffff;
	v10 =	vor.u32 v10, v55  }
0x9a: {  	vm8 =	veq.s32 v56, v0;
	v10 =	vadd.s32 v3, v10;
	s30 =	spop (v2sf)  }
0x9b: {  	v9 =	vnsel vm8, $0x80000000, v9;
	s1 =	sxor.u32 $0x80000000, s30  }
0x9c: {  	v57, _, _ =	vpop (xrf0);
	(xrf0) =	vmax.scan.msk.u32 $0xffff, v9;
	v9 =	vmov s1  }
0x9d: {  	(v2sf) =	vpush v57, $0xF;
	v58 =	vand.u32 $0xFFFFFF80, v9  }
0x9e: {  	v9 =	vand.u32 $0x7F, v9;
	[tilespmem:s26+$0xFFFFFE80] =	vst v11;
	v11 =	vadd.s32 s29, v58  }
0x9f: {  	v10 =	vld.idx.msk [tilespmem:v10+s14+$0x0], $0xffff;
	v9 =	vor.u32 v9, v11  }
0xa0: {  	v9 =	vadd.s32 v4, v9;
	s31 =	spop (v2sf)  }
0xa1: {  	s1 =	sxor.u32 $0x80000000, s31  }
0xa2: {  	v11 =	vmov s1;
	v59, _, _ =	vpop (xrf0)  }
0xa3: {  	(v2sf) =	vpush v59, $0xF;
	v60 =	vand.u32 $0xFFFFFF80, v11  }
0xa4: {  	[tilespmem:s26+$0xFFFFFF00] =	vst v10;
	v10 =	vand.u32 $0x7F, v11;
	v11 =	vadd.s32 s29, v60  }
0xa5: {  	v9 =	vld.idx.msk [tilespmem:v9+s14+$0x0], $0xffff;
	v10 =	vor.u32 v10, v11  }
0xa6: {  	s2 =	spop (v2sf);
	v10 =	vadd.s32 v5, v10  }
0xa7: {  	s1 =	sxor.u32 $0x80000000, s2  }
0xa8: {  	v11 =	vmov s1  }
0xa9: {  	v61 =	vand.u32 $0xFFFFFF80, v11  }
0xaa: {  	[tilespmem:s26+$0xFFFFFF80] =	vst v9;
	v9 =	vand.u32 $0x7F, v11;
	v11 =	vadd.s32 s29, v61  }
0xab: {  	v10 =	vld.idx.msk [tilespmem:v10+s14+$0x0], $0xffff;
	v9 =	vor.u32 v9, v11  }
0xac: {  	s30 =	spop (v2sf);
	v9 =	vadd.s32 v6, v9  }
0xad: {  	s1 =	sxor.u32 $0x80000000, s30  }
0xae: {  	v11 =	vmov s1  }
0xaf: {  	v62 =	vand.u32 $0xFFFFFF80, v11  }
0xb0: {  	[tilespmem:s26+$0x0] =	vst v10;
	v10 =	vand.u32 $0x7F, v11;
	v11 =	vadd.s32 s29, v62  }
0xb1: {  	v9 =	vld.idx.msk [tilespmem:v9+s14+$0x0], $0xffff;
	v10 =	vor.u32 v10, v11  }
0xb2: {  	v10 =	vadd.s32 v7, v10;
	s31 =	spop (v2sf)  }
0xb3: {  	s1 =	sxor.u32 $0x80000000, s31  }
0xb4: {  	v11 =	vmov s1  }
0xb5: {  	v63 =	vand.u32 $0xFFFFFF80, v11  }
0xb6: {  	[tilespmem:s26+$0x80] =	vst v9;
	v9 =	vand.u32 $0x7F, v11;
	v11 =	vadd.s32 s29, v63  }
0xb7: {  	v10 =	vld.idx.msk [tilespmem:v10+s14+$0x0], $0xffff;
	v9 =	vor.u32 v9, v11  }
0xb8: {  	v9 =	vadd.s32 v8, v9;
	_ =	sdelay $0x3  }
0xb9: {  	s25 =	sadd.s32 $0x20, s25;
	[tilespmem:s26+$0x100] =	vst v10  }
0xba: {  	p0 =	sne.s32 s25, $0x820;
	v9 =	vld.idx.msk [tilespmem:v9+s14+$0x0], $0xffff  }
.Ltmp1:
0xbb: {  	_ = 	snop;
	(pc) =	sbr.rel @!p0 .LBB2_5-.Ltmp1, $2  }
0xbc: {  	_ =	sdelay $0x2  }
0xbd: {  	s29 =	smov.u32 s28;
	[tilespmem:s26+$0x180] =	vst v9;
	s26 =	sadd.s32 $0x400, s26  }
.LBB2_2:
0xbe: {  	p0 =	seq.s32 s25, $0x800  }
.Ltmp2:
0xbf: {  	_ = 	snop;
	(pc) =	sbr.rel @p0 .LBB2_4-.Ltmp2, $2  }
0xc0: {  	_ =	sdelay $0x2  }
0xc1: {  	s28 =	sadd.s32 $0x1, s29  }
0xc2: {  	s30 =	sand.u32 $0xFC0, s25  }
0xc3: {  	s30 =	sshrl.u32 s30, $0x2  }
0xc4: {  	v9 =	vld [tilespmem:s30+$0x0];
	_ =	sdelay $0x4  }
0xc5: {  	vm8 =	vgt.s32 v9, $0x0  }
0xc6: {  	s30 =	sand.u32 $0x1, s28;
	v9 =	vnsel vm8, $0x0, v9  }
0xc7: {  	s31 =	sshll.u32 s30, $0x3;
	v9 =	vmin.u32 v9, $0xF423F  }
0xc8: {  	v10 =	vmov s31;
	v9 =	vand.u32 $0xFFF80, v9  }
0xc9: {  	vm8 =	veq.s32 v10, v0;
	v9 =	vor.u32 $0x80000000, v9  }
0xca: {  	v10 =	vnsel vm8, $0x80000000, v9  }
0xcb: {  	s2 =	sor.u32 $0x1, s31;
	(xrf0) =	vmax.scan.msk.u32 $0xffff, v10  }
0xcc: {  	v10 =	vmov s2  }
0xcd: {  	vm8 =	veq.s32 v10, v0  }
0xce: {  	v10 =	vnsel vm8, $0x80000000, v9  }
0xcf: {  	s1 =	sor.u32 $0x2, s31;
	(xrf0) =	vmax.scan.msk.u32 $0xffff, v10  }
0xd0: {  	v10 =	vmov s1  }
0xd1: {  	s1 =	sor.u32 $0x3, s31;
	vm8 =	veq.s32 v10, v0;
	v11, _, _ =	vpop (xrf0)  }
0xd2: {  	v10 =	vnsel vm8, $0x80000000, v9;
	(v2sf) =	vpush v11, $0xF;
	v11 =	vmov s1  }
0xd3: {  	(xrf0) =	vmax.scan.msk.u32 $0xffff, v10;
	vm8 =	veq.s32 v11, v0  }
0xd4: {  	s1 =	sor.u32 $0x4, s31;
	v10 =	vnsel vm8, $0x80000000, v9  }
0xd5: {  	v11, _, _ =	vpop (xrf0);
	(xrf0) =	vmax.scan.msk.u32 $0xffff, v10;
	v10 =	vmov s1  }
0xd6: {  	(v2sf) =	vpush v11, $0xF;
	vm8 =	veq.s32 v10, v0  }
0xd7: {  	s1 =	sor.u32 $0x5, s31;
	v10 =	vnsel vm8, $0x80000000, v9  }
0xd8: {  	(xrf0) =	vmax.scan.msk.u32 $0xffff, v10;
	v10 =	vmov s1  }
0xd9: {  	v11, _, _ =	vpop (xrf0);
	vm8 =	veq.s32 v10, v0  }
0xda: {  	s31 =	sor.u32 $0x6, s31;
	(v2sf) =	vpush v11, $0xF;
	v10 =	vnsel vm8, $0x80000000, v9  }
0xdb: {  	v11, _, _ =	vpop (xrf0);
	(xrf0) =	vmax.scan.msk.u32 $0xffff, v10;
	v10 =	vmov s31  }
0xdc: {  	(v2sf) =	vpush v11, $0xF;
	vm8 =	veq.s32 v10, v0  }
0xdd: {  	s1 =	sshllo.u32 s30, $0x3;
	v10 =	vnsel vm8, $0x80000000, v9  }
0xde: {  	v11, _, _ =	vpop (xrf0);
	(xrf0) =	vmax.scan.msk.u32 $0xffff, v10;
	v10 =	vmov s1  }
0xdf: {  	(v2sf) =	vpush v11, $0xF  }
0xe0: {  	vm8 =	veq.s32 v10, v0  }
0xe1: {  	v9 =	vnsel vm8, $0x80000000, v9;
	s31 =	spop (v2sf);
	v10, _, _ =	vpop (xrf0)  }
0xe2: {  	s30 =	sshll.u32 s30, $0xE;
	(v2sf) =	vpush v10, $0xF;
	s2 =	sand.u32 $0x1FFFFF80, s31  }
0xe3: {  	s1 =	sadd.s32 $0x4A00, s30;
	(xrf0) =	vmax.scan.msk.u32 $0xffff, v9;
	s2 =	sadd.s32 s0, s2  }
0xe4: {  	v9, _, _ =	vpop (xrf0);
	[tilespmem:s1], [sflag:$0x1] =	stream.strided.gather [hbm4b:s2+s13], $0x800, s12, s13, $0x38;
	[tilespmem:$0x1CA00] =	vst v63  }
0xe5: {  	s31 =	spop (v2sf);
	(v2sf) =	vpush v9, $0xF  }
0xe6: {  	s2 =	sand.u32 $0x1FFFFF80, s31  }
0xe7: {  	s1 =	sadd.s32 $0x5200, s30;
	s2 =	sadd.s32 s0, s2  }
0xe8: {  	[tilespmem:s1], [sflag:$0x1] =	stream.strided.gather [hbm4b:s2+s13], $0x800, s12, s13, $0x38;
	[tilespmem:$0x1CA00] =	vst v63  }
0xe9: {  	s1 =	spop (v2sf)  }
0xea: {  	v9, _, _ =	vpop (xrf0);
	s2 =	sand.u32 $0x1FFFFF80, s1  }
0xeb: {  	(v2sf) =	vpush v9, $0xF;
	s1 =	sadd.s32 $0x5A00, s30;
	s2 =	sadd.s32 s0, s2;
	s31 =	spop (v2sf)  }
0xec: {  	[tilespmem:s1], [sflag:$0x1] =	stream.strided.gather [hbm4b:s2+s13], $0x800, s12, s13, $0x38;
	[tilespmem:$0x1CA00] =	vst v63  }
0xed: {  	s1 =	sand.u32 $0x1FFFFF80, s31  }
0xee: {  	s31 =	sadd.s32 $0x6200, s30;
	s1 =	sadd.s32 s0, s1;
	s2 =	spop (v2sf)  }
0xef: {  	[tilespmem:s31], [sflag:$0x1] =	stream.strided.gather [hbm4b:s1+s13], $0x800, s12, s13, $0x38;
	[tilespmem:$0x1CA00] =	vst v63  }
0xf0: {  	s1 =	sand.u32 $0x1FFFFF80, s2  }
0xf1: {  	s31 =	sadd.s32 $0x6A00, s30;
	s1 =	sadd.s32 s0, s1;
	s2 =	spop (v2sf)  }
0xf2: {  	[tilespmem:s31], [sflag:$0x1] =	stream.strided.gather [hbm4b:s1+s13], $0x800, s12, s13, $0x38;
	[tilespmem:$0x1CA00] =	vst v63  }
0xf3: {  	s1 =	sand.u32 $0x1FFFFF80, s2  }
0xf4: {  	s31 =	sadd.s32 $0x7200, s30;
	s1 =	sadd.s32 s0, s1;
	s2 =	spop (v2sf)  }
0xf5: {  	[tilespmem:s31], [sflag:$0x1] =	stream.strided.gather [hbm4b:s1+s13], $0x800, s12, s13, $0x38;
	[tilespmem:$0x1CA00] =	vst v63  }
0xf6: {  	s2 =	sand.u32 $0x1FFFFF80, s2  }
0xf7: {  	s31 =	sadd.s32 $0x7A00, s30;
	s1 =	sadd.s32 s0, s2  }
0xf8: {  	[tilespmem:s31], [sflag:$0x1] =	stream.strided.gather [hbm4b:s1+s13], $0x800, s12, s13, $0x38;
	[tilespmem:$0x1CA00] =	vst v63  }
.Ltmp3:
0xf9: {  	_ = 	snop;
	(pc) =	sbr.rel .LBB2_4-.Ltmp3, $4  }
0xfa: {  	s2 =	spop (v2sf)  }
0xfb: {  	s1 =	sand.u32 $0x1FFFFF80, s2  }
0xfc: {  	s31 =	sor.u32 $0x8200, s30;
	s1 =	sadd.s32 s0, s1  }
0xfd: {  	[tilespmem:s31], [sflag:$0x1] =	stream.strided.gather [hbm4b:s1+s13], $0x800, s12, s13, $0x38;
	[tilespmem:$0x1CA00] =	vst v63  }
.LBB2_5:
0xfe: {  	s25 =	simm.s32 $0x0;
	s26 =	simm.s32 $0x0  }
.LBB2_6:
0xff: {  	s1 =	sand.u32 $0x70, s26;
	s2 =	sand.u32 $0x600, s25  }
0x100: {  	s28 =	sor.u32 s1, s2  }
0x101: {  	v9 =	vld [tilespmem:s28+$0x200];
	_ =	sdelay $0x4  }
0x102: {  	vm8 =	vgt.s32 v9, $0x0  }
0x103: {  	v9 =	vnsel vm8, $0x0, v9  }
0x104: {  	v9 =	vmin.u32 v9, $0xFF  }
0x105: {  	v10 =	vshll.u32 v9, $0x4;
	_ =	sdelay $0x1  }
0x106: {  	v9 =	vmov s26  }
0x107: {  	v9 =	vshll.u32 v9, $0x7  }
0x108: {  	v9 =	vor.u32 v1, v9  }
0x109: {  	v12 =	vor.u32 $0x10, v9;
	v11 =	vld.idx.msk [tilespmem:v10+s11+$0x0], $0xffff  }
0x10a: {  	v13 =	vor.u32 $0x1, v10;
	_ =	sdelay $0x3  }
0x10b: {  	[tilespmem:v12+s23+$0x0] =	vst.idx.msk $0xffff, v11  }
0x10c: {  	v46 =	vor.u32 $0x11, v9;
	v11 =	vld.idx.msk [tilespmem:v13+s11+$0x0], $0xffff  }
0x10d: {  	v47 =	vor.u32 $0x2, v10;
	_ =	sdelay $0x3  }
0x10e: {  	[tilespmem:v46+s23+$0x0] =	vst.idx.msk $0xffff, v11  }
0x10f: {  	v48 =	vor.u32 $0x12, v9;
	v11 =	vld.idx.msk [tilespmem:v47+s11+$0x0], $0xffff  }
0x110: {  	v49 =	vor.u32 $0x3, v10;
	_ =	sdelay $0x3  }
0x111: {  	[tilespmem:v48+s23+$0x0] =	vst.idx.msk $0xffff, v11  }
0x112: {  	v50 =	vor.u32 $0x13, v9;
	v11 =	vld.idx.msk [tilespmem:v49+s11+$0x0], $0xffff  }
0x113: {  	v51 =	vor.u32 $0x4, v10;
	_ =	sdelay $0x3  }
0x114: {  	[tilespmem:v50+s23+$0x0] =	vst.idx.msk $0xffff, v11  }
0x115: {  	v52 =	vor.u32 $0x14, v9;
	v11 =	vld.idx.msk [tilespmem:v51+s11+$0x0], $0xffff  }
0x116: {  	v53 =	vor.u32 $0x5, v10;
	_ =	sdelay $0x3  }
0x117: {  	[tilespmem:v52+s23+$0x0] =	vst.idx.msk $0xffff, v11  }
0x118: {  	v54 =	vor.u32 $0x15, v9;
	v11 =	vld.idx.msk [tilespmem:v53+s11+$0x0], $0xffff  }
0x119: {  	v55 =	vor.u32 $0x6, v10;
	_ =	sdelay $0x3  }
0x11a: {  	[tilespmem:v54+s23+$0x0] =	vst.idx.msk $0xffff, v11  }
0x11b: {  	v56 =	vor.u32 $0x16, v9;
	v11 =	vld.idx.msk [tilespmem:v55+s11+$0x0], $0xffff  }
0x11c: {  	v57 =	vor.u32 $0x7, v10;
	_ =	sdelay $0x3  }
0x11d: {  	[tilespmem:v56+s23+$0x0] =	vst.idx.msk $0xffff, v11  }
0x11e: {  	v58 =	vor.u32 $0x17, v9;
	v11 =	vld.idx.msk [tilespmem:v57+s11+$0x0], $0xffff  }
0x11f: {  	v59 =	vor.u32 $0x8, v10;
	_ =	sdelay $0x3  }
0x120: {  	[tilespmem:v58+s23+$0x0] =	vst.idx.msk $0xffff, v11  }
0x121: {  	v60 =	vor.u32 $0x18, v9;
	v11 =	vld.idx.msk [tilespmem:v59+s11+$0x0], $0xffff  }
0x122: {  	v61 =	vor.u32 $0x9, v10;
	_ =	sdelay $0x3  }
0x123: {  	[tilespmem:v60+s23+$0x0] =	vst.idx.msk $0xffff, v11  }
0x124: {  	v62 =	vor.u32 $0x19, v9;
	v11 =	vld.idx.msk [tilespmem:v61+s11+$0x0], $0xffff  }
0x125: {  	v63 =	vor.u32 $0xA, v10;
	_ =	sdelay $0x3  }
0x126: {  	[tilespmem:v62+s23+$0x0] =	vst.idx.msk $0xffff, v11  }
0x127: {  	v16 =	vor.u32 $0x1A, v9;
	v11 =	vld.idx.msk [tilespmem:v63+s11+$0x0], $0xffff  }
0x128: {  	v17 =	vor.u32 $0xB, v10;
	_ =	sdelay $0x3  }
0x129: {  	[tilespmem:v16+s23+$0x0] =	vst.idx.msk $0xffff, v11  }
0x12a: {  	v18 =	vor.u32 $0x1B, v9;
	v11 =	vld.idx.msk [tilespmem:v17+s11+$0x0], $0xffff  }
0x12b: {  	v19 =	vor.u32 $0xC, v10;
	_ =	sdelay $0x3  }
0x12c: {  	[tilespmem:v18+s23+$0x0] =	vst.idx.msk $0xffff, v11  }
0x12d: {  	v20 =	vor.u32 $0x1C, v9;
	v11 =	vld.idx.msk [tilespmem:v19+s11+$0x0], $0xffff  }
0x12e: {  	v21 =	vor.u32 $0xD, v10;
	_ =	sdelay $0x3  }
0x12f: {  	[tilespmem:v20+s23+$0x0] =	vst.idx.msk $0xffff, v11  }
0x130: {  	v22 =	vor.u32 $0x1D, v9;
	v11 =	vld.idx.msk [tilespmem:v21+s11+$0x0], $0xffff  }
0x131: {  	v23 =	vor.u32 $0xE, v10;
	_ =	sdelay $0x3  }
0x132: {  	[tilespmem:v22+s23+$0x0] =	vst.idx.msk $0xffff, v11  }
0x133: {  	v24 =	vor.u32 $0x1E, v9;
	v11 =	vld.idx.msk [tilespmem:v23+s11+$0x0], $0xffff  }
0x134: {  	v10 =	vor.u32 $0xF, v10;
	_ =	sdelay $0x3  }
0x135: {  	[tilespmem:v24+s23+$0x0] =	vst.idx.msk $0xffff, v11  }
0x136: {  	v11 =	vor.u32 $0x1F, v9;
	v10 =	vld.idx.msk [tilespmem:v10+s11+$0x0], $0xffff;
	_ =	sdelay $0x4  }
0x137: {  	[tilespmem:v11+s23+$0x0] =	vst.idx.msk $0xffff, v10  }
0x138: {  	v10 =	vld [tilespmem:s28+$0x280];
	_ =	sdelay $0x4  }
0x139: {  	vm8 =	vgt.s32 v10, $0x0  }
0x13a: {  	v10 =	vnsel vm8, $0x0, v10  }
0x13b: {  	v10 =	vmin.u32 v10, $0xFF  }
0x13c: {  	v10 =	vshll.u32 v10, $0x4  }
0x13d: {  	v11 =	vor.u32 $0x1000, v10;
	_ =	sdelay $0x4  }
0x13e: {  	v25 =	vor.u32 $0x20, v9;
	v11 =	vld.idx.msk [tilespmem:v11+s11+$0x0], $0xffff  }
0x13f: {  	v26 =	vor.u32 $0x1001, v10;
	_ =	sdelay $0x3  }
0x140: {  	[tilespmem:v25+s23+$0x0] =	vst.idx.msk $0xffff, v11  }
0x141: {  	v27 =	vor.u32 $0x21, v9;
	v11 =	vld.idx.msk [tilespmem:v26+s11+$0x0], $0xffff  }
0x142: {  	v28 =	vor.u32 $0x1002, v10;
	_ =	sdelay $0x3  }
0x143: {  	[tilespmem:v27+s23+$0x0] =	vst.idx.msk $0xffff, v11  }
0x144: {  	v29 =	vor.u32 $0x22, v9;
	v11 =	vld.idx.msk [tilespmem:v28+s11+$0x0], $0xffff  }
0x145: {  	v30 =	vor.u32 $0x1003, v10;
	_ =	sdelay $0x3  }
0x146: {  	[tilespmem:v29+s23+$0x0] =	vst.idx.msk $0xffff, v11  }
0x147: {  	v31 =	vor.u32 $0x23, v9;
	v11 =	vld.idx.msk [tilespmem:v30+s11+$0x0], $0xffff  }
0x148: {  	v32 =	vor.u32 $0x1004, v10;
	_ =	sdelay $0x3  }
0x149: {  	[tilespmem:v31+s23+$0x0] =	vst.idx.msk $0xffff, v11  }
0x14a: {  	v33 =	vor.u32 $0x24, v9;
	v11 =	vld.idx.msk [tilespmem:v32+s11+$0x0], $0xffff  }
0x14b: {  	v34 =	vor.u32 $0x1005, v10;
	_ =	sdelay $0x3  }
0x14c: {  	[tilespmem:v33+s23+$0x0] =	vst.idx.msk $0xffff, v11  }
0x14d: {  	v35 =	vor.u32 $0x25, v9;
	v11 =	vld.idx.msk [tilespmem:v34+s11+$0x0], $0xffff  }
0x14e: {  	v36 =	vor.u32 $0x1006, v10;
	_ =	sdelay $0x3  }
0x14f: {  	[tilespmem:v35+s23+$0x0] =	vst.idx.msk $0xffff, v11  }
0x150: {  	v37 =	vor.u32 $0x26, v9;
	v11 =	vld.idx.msk [tilespmem:v36+s11+$0x0], $0xffff  }
0x151: {  	v38 =	vor.u32 $0x1007, v10;
	_ =	sdelay $0x3  }
0x152: {  	[tilespmem:v37+s23+$0x0] =	vst.idx.msk $0xffff, v11  }
0x153: {  	v39 =	vor.u32 $0x27, v9;
	v11 =	vld.idx.msk [tilespmem:v38+s11+$0x0], $0xffff  }
0x154: {  	v40 =	vor.u32 $0x1008, v10;
	_ =	sdelay $0x3  }
0x155: {  	[tilespmem:v39+s23+$0x0] =	vst.idx.msk $0xffff, v11  }
0x156: {  	v41 =	vor.u32 $0x28, v9;
	v11 =	vld.idx.msk [tilespmem:v40+s11+$0x0], $0xffff  }
0x157: {  	v42 =	vor.u32 $0x1009, v10;
	_ =	sdelay $0x3  }
0x158: {  	[tilespmem:v41+s23+$0x0] =	vst.idx.msk $0xffff, v11  }
0x159: {  	v43 =	vor.u32 $0x29, v9;
	v11 =	vld.idx.msk [tilespmem:v42+s11+$0x0], $0xffff  }
0x15a: {  	v44 =	vor.u32 $0x100A, v10;
	_ =	sdelay $0x3  }
0x15b: {  	[tilespmem:v43+s23+$0x0] =	vst.idx.msk $0xffff, v11  }
0x15c: {  	v45 =	vor.u32 $0x2A, v9;
	v11 =	vld.idx.msk [tilespmem:v44+s11+$0x0], $0xffff  }
0x15d: {  	v46 =	vor.u32 $0x100B, v10;
	_ =	sdelay $0x3  }
0x15e: {  	[tilespmem:v45+s23+$0x0] =	vst.idx.msk $0xffff, v11  }
0x15f: {  	v47 =	vor.u32 $0x2B, v9;
	v11 =	vld.idx.msk [tilespmem:v46+s11+$0x0], $0xffff  }
0x160: {  	v48 =	vor.u32 $0x100C, v10;
	_ =	sdelay $0x3  }
0x161: {  	[tilespmem:v47+s23+$0x0] =	vst.idx.msk $0xffff, v11  }
0x162: {  	v49 =	vor.u32 $0x2C, v9;
	v11 =	vld.idx.msk [tilespmem:v48+s11+$0x0], $0xffff  }
0x163: {  	v50 =	vor.u32 $0x100D, v10;
	_ =	sdelay $0x3  }
0x164: {  	[tilespmem:v49+s23+$0x0] =	vst.idx.msk $0xffff, v11  }
0x165: {  	v51 =	vor.u32 $0x2D, v9;
	v11 =	vld.idx.msk [tilespmem:v50+s11+$0x0], $0xffff  }
0x166: {  	v52 =	vor.u32 $0x100E, v10;
	_ =	sdelay $0x3  }
0x167: {  	[tilespmem:v51+s23+$0x0] =	vst.idx.msk $0xffff, v11  }
0x168: {  	v53 =	vor.u32 $0x2E, v9;
	v11 =	vld.idx.msk [tilespmem:v52+s11+$0x0], $0xffff  }
0x169: {  	v10 =	vor.u32 $0x100F, v10;
	_ =	sdelay $0x3  }
0x16a: {  	[tilespmem:v53+s23+$0x0] =	vst.idx.msk $0xffff, v11  }
0x16b: {  	v11 =	vor.u32 $0x2F, v9;
	v10 =	vld.idx.msk [tilespmem:v10+s11+$0x0], $0xffff;
	_ =	sdelay $0x4  }
0x16c: {  	[tilespmem:v11+s23+$0x0] =	vst.idx.msk $0xffff, v10  }
0x16d: {  	v10 =	vld [tilespmem:s28+$0x300];
	_ =	sdelay $0x4  }
0x16e: {  	vm8 =	vgt.s32 v10, $0x0  }
0x16f: {  	v10 =	vnsel vm8, $0x0, v10  }
0x170: {  	v10 =	vmin.u32 v10, $0xFF  }
0x171: {  	v10 =	vshll.u32 v10, $0x4  }
0x172: {  	v11 =	vor.u32 $0x2000, v10;
	_ =	sdelay $0x4  }
0x173: {  	v54 =	vor.u32 $0x30, v9;
	v11 =	vld.idx.msk [tilespmem:v11+s11+$0x0], $0xffff  }
0x174: {  	v55 =	vor.u32 $0x2001, v10;
	_ =	sdelay $0x3  }
0x175: {  	[tilespmem:v54+s23+$0x0] =	vst.idx.msk $0xffff, v11  }
0x176: {  	v56 =	vor.u32 $0x31, v9;
	v11 =	vld.idx.msk [tilespmem:v55+s11+$0x0], $0xffff  }
0x177: {  	v57 =	vor.u32 $0x2002, v10;
	_ =	sdelay $0x3  }
0x178: {  	[tilespmem:v56+s23+$0x0] =	vst.idx.msk $0xffff, v11  }
0x179: {  	v58 =	vor.u32 $0x32, v9;
	v11 =	vld.idx.msk [tilespmem:v57+s11+$0x0], $0xffff  }
0x17a: {  	v59 =	vor.u32 $0x2003, v10;
	_ =	sdelay $0x3  }
0x17b: {  	[tilespmem:v58+s23+$0x0] =	vst.idx.msk $0xffff, v11  }
0x17c: {  	v60 =	vor.u32 $0x33, v9;
	v11 =	vld.idx.msk [tilespmem:v59+s11+$0x0], $0xffff  }
0x17d: {  	v61 =	vor.u32 $0x2004, v10;
	_ =	sdelay $0x3  }
0x17e: {  	[tilespmem:v60+s23+$0x0] =	vst.idx.msk $0xffff, v11  }
0x17f: {  	v62 =	vor.u32 $0x34, v9;
	v11 =	vld.idx.msk [tilespmem:v61+s11+$0x0], $0xffff  }
0x180: {  	v63 =	vor.u32 $0x2005, v10;
	_ =	sdelay $0x3  }
0x181: {  	[tilespmem:v62+s23+$0x0] =	vst.idx.msk $0xffff, v11  }
0x182: {  	v16 =	vor.u32 $0x35, v9;
	v11 =	vld.idx.msk [tilespmem:v63+s11+$0x0], $0xffff  }
0x183: {  	v17 =	vor.u32 $0x2006, v10;
	_ =	sdelay $0x3  }
0x184: {  	[tilespmem:v16+s23+$0x0] =	vst.idx.msk $0xffff, v11  }
0x185: {  	v18 =	vor.u32 $0x36, v9;
	v11 =	vld.idx.msk [tilespmem:v17+s11+$0x0], $0xffff  }
0x186: {  	v19 =	vor.u32 $0x2007, v10;
	_ =	sdelay $0x3  }
0x187: {  	[tilespmem:v18+s23+$0x0] =	vst.idx.msk $0xffff, v11  }
0x188: {  	v20 =	vor.u32 $0x37, v9;
	v11 =	vld.idx.msk [tilespmem:v19+s11+$0x0], $0xffff  }
0x189: {  	v21 =	vor.u32 $0x2008, v10;
	_ =	sdelay $0x3  }
0x18a: {  	[tilespmem:v20+s23+$0x0] =	vst.idx.msk $0xffff, v11  }
0x18b: {  	v22 =	vor.u32 $0x38, v9;
	v11 =	vld.idx.msk [tilespmem:v21+s11+$0x0], $0xffff  }
0x18c: {  	v23 =	vor.u32 $0x2009, v10;
	_ =	sdelay $0x3  }
0x18d: {  	[tilespmem:v22+s23+$0x0] =	vst.idx.msk $0xffff, v11  }
0x18e: {  	v24 =	vor.u32 $0x39, v9;
	v11 =	vld.idx.msk [tilespmem:v23+s11+$0x0], $0xffff  }
0x18f: {  	v25 =	vor.u32 $0x200A, v10;
	_ =	sdelay $0x3  }
0x190: {  	[tilespmem:v24+s23+$0x0] =	vst.idx.msk $0xffff, v11  }
0x191: {  	v26 =	vor.u32 $0x3A, v9;
	v11 =	vld.idx.msk [tilespmem:v25+s11+$0x0], $0xffff  }
0x192: {  	v27 =	vor.u32 $0x200B, v10;
	_ =	sdelay $0x3  }
0x193: {  	[tilespmem:v26+s23+$0x0] =	vst.idx.msk $0xffff, v11  }
0x194: {  	v28 =	vor.u32 $0x3B, v9;
	v11 =	vld.idx.msk [tilespmem:v27+s11+$0x0], $0xffff  }
0x195: {  	v29 =	vor.u32 $0x200C, v10;
	_ =	sdelay $0x3  }
0x196: {  	[tilespmem:v28+s23+$0x0] =	vst.idx.msk $0xffff, v11  }
0x197: {  	v30 =	vor.u32 $0x3C, v9;
	v11 =	vld.idx.msk [tilespmem:v29+s11+$0x0], $0xffff  }
0x198: {  	v31 =	vor.u32 $0x200D, v10;
	_ =	sdelay $0x3  }
0x199: {  	[tilespmem:v30+s23+$0x0] =	vst.idx.msk $0xffff, v11  }
0x19a: {  	v32 =	vor.u32 $0x3D, v9;
	v11 =	vld.idx.msk [tilespmem:v31+s11+$0x0], $0xffff  }
0x19b: {  	v33 =	vor.u32 $0x200E, v10;
	_ =	sdelay $0x3  }
0x19c: {  	[tilespmem:v32+s23+$0x0] =	vst.idx.msk $0xffff, v11  }
0x19d: {  	v34 =	vor.u32 $0x3E, v9;
	v11 =	vld.idx.msk [tilespmem:v33+s11+$0x0], $0xffff  }
0x19e: {  	v10 =	vor.u32 $0x200F, v10;
	_ =	sdelay $0x3  }
0x19f: {  	[tilespmem:v34+s23+$0x0] =	vst.idx.msk $0xffff, v11  }
0x1a0: {  	v11 =	vor.u32 $0x3F, v9;
	v10 =	vld.idx.msk [tilespmem:v10+s11+$0x0], $0xffff;
	_ =	sdelay $0x4  }
0x1a1: {  	[tilespmem:v11+s23+$0x0] =	vst.idx.msk $0xffff, v10  }
0x1a2: {  	v10 =	vld [tilespmem:s28+$0x380];
	_ =	sdelay $0x4  }
0x1a3: {  	vm8 =	vgt.s32 v10, $0x0  }
0x1a4: {  	v10 =	vnsel vm8, $0x0, v10  }
0x1a5: {  	v10 =	vmin.u32 v10, $0xFF  }
0x1a6: {  	v10 =	vshll.u32 v10, $0x4  }
0x1a7: {  	v11 =	vor.u32 $0x3000, v10;
	_ =	sdelay $0x4  }
0x1a8: {  	v35 =	vor.u32 $0x40, v9;
	v11 =	vld.idx.msk [tilespmem:v11+s11+$0x0], $0xffff  }
0x1a9: {  	v36 =	vor.u32 $0x3001, v10;
	_ =	sdelay $0x3  }
0x1aa: {  	[tilespmem:v35+s23+$0x0] =	vst.idx.msk $0xffff, v11  }
0x1ab: {  	v37 =	vor.u32 $0x41, v9;
	v11 =	vld.idx.msk [tilespmem:v36+s11+$0x0], $0xffff  }
0x1ac: {  	v38 =	vor.u32 $0x3002, v10;
	_ =	sdelay $0x3  }
0x1ad: {  	[tilespmem:v37+s23+$0x0] =	vst.idx.msk $0xffff, v11  }
0x1ae: {  	v39 =	vor.u32 $0x42, v9;
	v11 =	vld.idx.msk [tilespmem:v38+s11+$0x0], $0xffff  }
0x1af: {  	v40 =	vor.u32 $0x3003, v10;
	_ =	sdelay $0x3  }
0x1b0: {  	[tilespmem:v39+s23+$0x0] =	vst.idx.msk $0xffff, v11  }
0x1b1: {  	v41 =	vor.u32 $0x43, v9;
	v11 =	vld.idx.msk [tilespmem:v40+s11+$0x0], $0xffff  }
0x1b2: {  	v42 =	vor.u32 $0x3004, v10;
	_ =	sdelay $0x3  }
0x1b3: {  	[tilespmem:v41+s23+$0x0] =	vst.idx.msk $0xffff, v11  }
0x1b4: {  	v43 =	vor.u32 $0x44, v9;
	v11 =	vld.idx.msk [tilespmem:v42+s11+$0x0], $0xffff  }
0x1b5: {  	v44 =	vor.u32 $0x3005, v10;
	_ =	sdelay $0x3  }
0x1b6: {  	[tilespmem:v43+s23+$0x0] =	vst.idx.msk $0xffff, v11  }
0x1b7: {  	v45 =	vor.u32 $0x45, v9;
	v11 =	vld.idx.msk [tilespmem:v44+s11+$0x0], $0xffff  }
0x1b8: {  	v46 =	vor.u32 $0x3006, v10;
	_ =	sdelay $0x3  }
0x1b9: {  	[tilespmem:v45+s23+$0x0] =	vst.idx.msk $0xffff, v11  }
0x1ba: {  	v47 =	vor.u32 $0x46, v9;
	v11 =	vld.idx.msk [tilespmem:v46+s11+$0x0], $0xffff  }
0x1bb: {  	v48 =	vor.u32 $0x3007, v10;
	_ =	sdelay $0x3  }
0x1bc: {  	[tilespmem:v47+s23+$0x0] =	vst.idx.msk $0xffff, v11  }
0x1bd: {  	v49 =	vor.u32 $0x47, v9;
	v11 =	vld.idx.msk [tilespmem:v48+s11+$0x0], $0xffff  }
0x1be: {  	v50 =	vor.u32 $0x3008, v10;
	_ =	sdelay $0x3  }
0x1bf: {  	[tilespmem:v49+s23+$0x0] =	vst.idx.msk $0xffff, v11  }
0x1c0: {  	v51 =	vor.u32 $0x48, v9;
	v11 =	vld.idx.msk [tilespmem:v50+s11+$0x0], $0xffff  }
0x1c1: {  	v52 =	vor.u32 $0x3009, v10;
	_ =	sdelay $0x3  }
0x1c2: {  	[tilespmem:v51+s23+$0x0] =	vst.idx.msk $0xffff, v11  }
0x1c3: {  	v53 =	vor.u32 $0x49, v9;
	v11 =	vld.idx.msk [tilespmem:v52+s11+$0x0], $0xffff  }
0x1c4: {  	v54 =	vor.u32 $0x300A, v10;
	_ =	sdelay $0x3  }
0x1c5: {  	[tilespmem:v53+s23+$0x0] =	vst.idx.msk $0xffff, v11  }
0x1c6: {  	v55 =	vor.u32 $0x4A, v9;
	v11 =	vld.idx.msk [tilespmem:v54+s11+$0x0], $0xffff  }
0x1c7: {  	v56 =	vor.u32 $0x300B, v10;
	_ =	sdelay $0x3  }
0x1c8: {  	[tilespmem:v55+s23+$0x0] =	vst.idx.msk $0xffff, v11  }
0x1c9: {  	v57 =	vor.u32 $0x4B, v9;
	v11 =	vld.idx.msk [tilespmem:v56+s11+$0x0], $0xffff  }
0x1ca: {  	v58 =	vor.u32 $0x300C, v10;
	_ =	sdelay $0x3  }
0x1cb: {  	[tilespmem:v57+s23+$0x0] =	vst.idx.msk $0xffff, v11  }
0x1cc: {  	v59 =	vor.u32 $0x4C, v9;
	v11 =	vld.idx.msk [tilespmem:v58+s11+$0x0], $0xffff  }
0x1cd: {  	v60 =	vor.u32 $0x300D, v10;
	_ =	sdelay $0x3  }
0x1ce: {  	[tilespmem:v59+s23+$0x0] =	vst.idx.msk $0xffff, v11  }
0x1cf: {  	v61 =	vor.u32 $0x4D, v9;
	v11 =	vld.idx.msk [tilespmem:v60+s11+$0x0], $0xffff  }
0x1d0: {  	v62 =	vor.u32 $0x300E, v10;
	_ =	sdelay $0x3  }
0x1d1: {  	[tilespmem:v61+s23+$0x0] =	vst.idx.msk $0xffff, v11  }
0x1d2: {  	v63 =	vor.u32 $0x4E, v9;
	v11 =	vld.idx.msk [tilespmem:v62+s11+$0x0], $0xffff  }
0x1d3: {  	v10 =	vor.u32 $0x300F, v10;
	_ =	sdelay $0x3  }
0x1d4: {  	[tilespmem:v63+s23+$0x0] =	vst.idx.msk $0xffff, v11  }
0x1d5: {  	p0 =	sne.s32 s26, $0x1F0;
	v9 =	vor.u32 $0x4F, v9;
	v10 =	vld.idx.msk [tilespmem:v10+s11+$0x0], $0xffff  }
.Ltmp4:
0x1d6: {  	_ = 	snop;
	(pc) =	sbr.rel @p0 .LBB2_6-.Ltmp4, $2  }
0x1d7: {  	_ =	sdelay $0x2  }
0x1d8: {  	s25 =	sadd.s32 $0x40, s25;
	s26 =	sadd.s32 $0x10, s26;
	[tilespmem:v9+s23+$0x0] =	vst.idx.msk $0xffff, v10  }
0x1d9: {  	s24 =	sadd.s32 $0x1, s24  }
0x1da: {  	p0 =	sne.s32 s24, s8  }
.Ltmp5:
0x1db: {  	_ = 	snop;
	(pc) =	sbr.rel @p0 .LBB2_1-.Ltmp5, $4  }
0x1dc: {  	[hbm4b:s7+s4] =	stream.linear.scatter [tilespmem:s23], [sflag:$0x2], $0x10000, $0x38;
	[tilespmem:$0x1CA00] =	vst v63  }
0x1dd: {  	_ =	swait.ge [sflag:s10], $0x10000  }
0x1de: {  	[sflag:s10] =	ssyncset.done $0x0  }
0x1df: {  	[sflag:s10] =	ssyncadd.s32 $0xFFFF0000  }
0x1e0: {  	_ =	sfence.sel $0x180000  }
0x1e1: {  	[bflag:$0x0] =	sbarrier.arrive $0xFFFF  }
0x1e2: {  	_ =	strace $0x90000047  }
0x1e3: {  	s0 =	stileid.u32;
	[bflag:$0x2] =	sbarrier.arrive $0xFFFF  }
0x1e4: {  	p0 =	sne.s32 s0, $0x0;
	s0 =	rddreg [dreg:$0x5]  }
0x1e5: {  	s0 =	sadd.s32 @!p0 $0x100000, s0  }
0x1e6: {  	[sflag:s0] =	ssyncadd.tile.s32 @!p0 $0x1;
	_ =	shalt  }
.Lfunc_end2:
_tile_overlayer_lowered:
.L_overlay_start_2:
0x1e7: {  	(tag) =	ssettag $0x2  }
0x1e8: {  	s0 =	rddreg [dreg:$0x0];
	s2 =	stileid.u32  }
0x1e9: {  	s1 =	rddreg [dreg:$0x1];
	p0 =	sne.s32 s2, $0x0  }
0x1ea: {  	s3 =	rddreg [dreg:$0x2];
	[bflag:$0x3] =	sbarrier.arrive $0xFFFF;
	s2 =	simm.s32 @!p0 $0x1C02  }
0x1eb: {  	[timem:s3], [sflag:s2] =	dma.local @!p0 [hbm:s0], s1  }
0x1ec: {  	s0 =	simm.s32 @!p0 $0x2  }
0x1ed: {  	_ =	swait.ge @!p0 [sflag:s0], s1  }
0x1ee: {  	s1 =	ssub.s32 @!p0 $0x0, s1;
	[sflag:s0] =	ssyncset.done @!p0 $0x0  }
0x1ef: {  	[sflag:s0] =	ssyncadd.s32 @!p0 s1  }
0x1f0: {  	[bflag:$0x3] =	sbarrier.arrive $0xFFFF  }
0x1f1: {  	_ =	shalt  }

</sc_bundles>
